<compile_context>
chip_gen: v7x
topology: tpu7x:2x2x1
jax: 0.10.2.dev20260603
libtpu: 0.0.44.dev20260713+nightly
codegen_flags: <defaults>
</compile_context>

<pallas_src>
import jax
import jax.numpy as jnp
from jax import lax
from jax.experimental import pallas as pl
from jax.experimental.pallas import tpu as pltpu
from jax.experimental.pallas import tpu_sc as plsc

B = 64
N = 4096
N0 = 1024
D = 128

NC = 2
NS = 16
NW = NC * NS

BATCH_PER_W = B // NW
CHUNK = 128
CHUNKS_PER_BATCH = N0 // CHUNK
NCHUNK = BATCH_PER_W * CHUNKS_PER_BATCH

NBUF = 4
G = 2
NGROUP = NCHUNK // NBUF


def _body(table_hbm, idx_hbm, out_hbm, idx_v, *rest):
    bufs = rest[:NBUF]
    gsems = rest[NBUF:2 * NBUF]
    wsems = rest[2 * NBUF:3 * NBUF]
    isems = rest[3 * NBUF:3 * NBUF + BATCH_PER_W]

    cid = lax.axis_index("c")
    sid = lax.axis_index("s")
    wid = sid * NC + cid
    base_batch = wid * BATCH_PER_W

    idx_copies = [
        pltpu.async_copy(idx_hbm.at[pl.ds(base_batch + r, 1)],
                         idx_v.at[pl.ds(r, 1)], isems[r])
        for r in range(BATCH_PER_W)]
    idx_copies[0].wait()

    def out_slice(c):
        b = c // CHUNKS_PER_BATCH
        col = (c % CHUNKS_PER_BATCH) * CHUNK
        return out_hbm.at[base_batch + b].at[pl.ds(col, CHUNK)]

    def start_gather(c, b):
        bb = c // CHUNKS_PER_BATCH
        col = (c % CHUNKS_PER_BATCH) * CHUNK
        pltpu.async_copy(
            table_hbm.at[base_batch + bb].at[idx_v.at[bb, pl.ds(col, CHUNK)]],
            bufs[b], gsems[b])

    def wait_gather(b):
        pltpu.make_async_copy(
            table_hbm.at[0].at[pl.ds(0, CHUNK)], bufs[b], gsems[b]).wait()

    def start_write(c, b):
        pltpu.async_copy(bufs[b], out_slice(c), wsems[b])

    def wait_write(b):
        pltpu.make_async_copy(
            bufs[b], out_hbm.at[0].at[pl.ds(0, CHUNK)], wsems[b]).wait()

    for b in range(G):
        start_gather(b, b)
    for r in range(1, BATCH_PER_W):
        idx_copies[r].wait()

    def group(g, _):
        for b in range(NBUF):
            c = g * NBUF + b
            wait_gather(b)
            start_write(c, b)
            f = c + G
            bf = (b + G) % NBUF

            @pl.when(f < NCHUNK)
            def _():
                @pl.when(f >= NBUF)
                def _():
                    wait_write(bf)
                start_gather(f, bf)
        return _

    lax.fori_loop(0, NGROUP, group, None, unroll=False)

    for b in range(NBUF):
        wait_write(b)


@jax.jit
def _gather(table, idx):
    mesh = plsc.VectorSubcoreMesh(
        core_axis_name="c", subcore_axis_name="s",
        num_cores=NC, num_subcores=NS)
    return pl.kernel(
        _body,
        out_type=jax.ShapeDtypeStruct((B, N0, D), jnp.float32),
        mesh=mesh,
        scratch_types=(
            [pltpu.VMEM((BATCH_PER_W, N0), jnp.int32)]
            + [pltpu.VMEM((CHUNK, D), jnp.float32) for _ in range(NBUF)]
            + [pltpu.SemaphoreType.DMA for _ in range(2 * NBUF + BATCH_PER_W)]
        ),
    )(table, idx)


def kernel(atom_fea, target_index):
    return _gather(atom_fea, target_index.astype(jnp.int32))

# --- scband reference (transcript-rebuilt; emitter-appended) ---
"""Pipeline reference for scband-crystal-feature-pooling-layer-74156905332880 (READ-ONLY COPY).

The authoritative reference and input builder live on the scoring server;
editing this copy changes nothing except your own understanding.
"""

import jax, jax.numpy as jnp
import numpy as np

def setup_inputs(seed: int = 0) -> dict:
    key = jax.random.key(seed)
    k1, k2 = jax.random.split(key)
    atom_fea = jax.random.normal(k1, (64, 4096, 128), dtype=jnp.float32)
    target_index = jax.random.randint(k2, (64, 1024), 0, 4096, dtype=jnp.int64 if jax.config.read('jax_enable_x64') else jnp.int32).astype(jnp.int32)
    return {"atom_fea": atom_fea, "target_index": target_index}

def reference(atom_fea, target_index):
    # Faithful translation of tf.gather_nd with (batch_idx, target_index) stacking:
    # for each batch b, crys_fea[b, i, :] = atom_fea[b, target_index[b, i], :]
    idx = target_index.astype(jnp.int32)[:, :, None]  # (B, N0, 1)
    crys_fea = jnp.take_along_axis(atom_fea, idx, axis=1)  # (B, N0, atom_fea_len)
    return crys_fea

if __name__ == "__main__":
    import jax
    _d = setup_inputs()
    print(jax.jit(kernel)(*tuple(_d.values())))

</pallas_src>

<mosaic_0001>
#map = affine_map<(d0, d1) -> (0, 0, 0)>
#map1 = affine_map<(d0, d1) -> (0, 0)>
module attributes {stable_mosaic.version = 14 : i64} {
  func.func @_body(%arg0: i32, %arg1: i32, %arg2: memref<64x4096x128xf32, #tpu.memory_space<hbm>>, %arg3: memref<64x1024xi32, #tpu.memory_space<hbm>>, %arg4: memref<64x1024x128xf32, #tpu.memory_space<hbm>>, %arg5: memref<2x1024xi32, #tpu.memory_space<vmem>>, %arg6: memref<128x128xf32, #tpu.memory_space<vmem>>, %arg7: memref<128x128xf32, #tpu.memory_space<vmem>>, %arg8: memref<128x128xf32, #tpu.memory_space<vmem>>, %arg9: memref<128x128xf32, #tpu.memory_space<vmem>>, %arg10: memref<!tpu.dma_semaphore, #tpu.memory_space<semaphore_mem>>, %arg11: memref<!tpu.dma_semaphore, #tpu.memory_space<semaphore_mem>>, %arg12: memref<!tpu.dma_semaphore, #tpu.memory_space<semaphore_mem>>, %arg13: memref<!tpu.dma_semaphore, #tpu.memory_space<semaphore_mem>>, %arg14: memref<!tpu.dma_semaphore, #tpu.memory_space<semaphore_mem>>, %arg15: memref<!tpu.dma_semaphore, #tpu.memory_space<semaphore_mem>>, %arg16: memref<!tpu.dma_semaphore, #tpu.memory_space<semaphore_mem>>, %arg17: memref<!tpu.dma_semaphore, #tpu.memory_space<semaphore_mem>>, %arg18: memref<!tpu.dma_semaphore, #tpu.memory_space<semaphore_mem>>, %arg19: memref<!tpu.dma_semaphore, #tpu.memory_space<semaphore_mem>>) attributes {dimension_semantics = [#tpu.dimension_semantics<core_parallel>, #tpu.dimension_semantics<subcore_parallel>], iteration_bounds = array<i64: 2, 16>, scalar_prefetch = 0 : i64, scratch_operands = 15 : i64, tpu.core_type = #tpu.core_type<sc_vector_subcore>, window_params = [{transform_indices = #map}, {transform_indices = #map1}, {transform_indices = #map}]} {
    %mul3A = arith.constant 2 : i32
    %mul3A_0 = arith.muli %arg1, %mul3A : i32
    %add3A = arith.addi %mul3A_0, %arg0 : i32
    %mul3A_1 = arith.constant 2 : i32
    %mul3A_2 = arith.muli %add3A, %mul3A_1 : i32
    %add3A_3 = arith.constant 0 : i32
    %add3A_4 = arith.addi %mul3A_2, %add3A_3 : i32
    %dma_start3A = arith.constant 0 : i32
    %dma_start3A_5 = arith.constant 0 : i32
    %dma_start3A_6 = tpu.memref_slice %arg5[%dma_start3A, %dma_start3A_5] : memref<2x1024xi32, #tpu.memory_space<vmem>> -> memref<1x1024xi32, #tpu.memory_space<vmem>>
    %dma_start3A_7 = arith.constant 0 : i32
    %dma_start3A_8 = tpu.memref_slice %arg3[%add3A_4, %dma_start3A_7] : memref<64x1024xi32, #tpu.memory_space<hbm>> -> memref<1x1024xi32, #tpu.memory_space<hbm>>
    %dma_start3A_9 = arith.constant 0 : i32
    %dma_start3A_10 = arith.constant 0 : i32
    %dma_start3A_11 = tpu.memref_slice %arg5[%dma_start3A_9, %dma_start3A_10] : memref<2x1024xi32, #tpu.memory_space<vmem>> -> memref<1x1024xi32, #tpu.memory_space<vmem>>
    %dma_start3A_12 = arith.constant 0 : i32
    %dma_start3A_13 = tpu.memref_slice %arg3[%add3A_4, %dma_start3A_12] : memref<64x1024xi32, #tpu.memory_space<hbm>> -> memref<1x1024xi32, #tpu.memory_space<hbm>>
    tpu.enqueue_dma source(%dma_start3A_13 : memref<1x1024xi32, #tpu.memory_space<hbm>>) target(%dma_start3A_11 : memref<1x1024xi32, #tpu.memory_space<vmem>>) target_semaphore(%arg18 : memref<!tpu.dma_semaphore, #tpu.memory_space<semaphore_mem>>)
    %add3A_14 = arith.constant 1 : i32
    %add3A_15 = arith.addi %mul3A_2, %add3A_14 : i32
    %dma_start3A_16 = arith.constant 1 : i32
    %dma_start3A_17 = arith.constant 0 : i32
    %dma_start3A_18 = tpu.memref_slice %arg5[%dma_start3A_16, %dma_start3A_17] : memref<2x1024xi32, #tpu.memory_space<vmem>> -> memref<1x1024xi32, #tpu.memory_space<vmem>>
    %dma_start3A_19 = arith.constant 0 : i32
    %dma_start3A_20 = tpu.memref_slice %arg3[%add3A_15, %dma_start3A_19] : memref<64x1024xi32, #tpu.memory_space<hbm>> -> memref<1x1024xi32, #tpu.memory_space<hbm>>
    %dma_start3A_21 = arith.constant 1 : i32
    %dma_start3A_22 = arith.constant 0 : i32
    %dma_start3A_23 = tpu.memref_slice %arg5[%dma_start3A_21, %dma_start3A_22] : memref<2x1024xi32, #tpu.memory_space<vmem>> -> memref<1x1024xi32, #tpu.memory_space<vmem>>
    %dma_start3A_24 = arith.constant 0 : i32
    %dma_start3A_25 = tpu.memref_slice %arg3[%add3A_15, %dma_start3A_24] : memref<64x1024xi32, #tpu.memory_space<hbm>> -> memref<1x1024xi32, #tpu.memory_space<hbm>>
    tpu.enqueue_dma source(%dma_start3A_25 : memref<1x1024xi32, #tpu.memory_space<hbm>>) target(%dma_start3A_23 : memref<1x1024xi32, #tpu.memory_space<vmem>>) target_semaphore(%arg19 : memref<!tpu.dma_semaphore, #tpu.memory_space<semaphore_mem>>)
    %dma_wait3A = arith.constant 0 : i32
    %dma_wait3A_26 = arith.constant 0 : i32
    %dma_wait3A_27 = tpu.memref_slice %arg5[%dma_wait3A, %dma_wait3A_26] : memref<2x1024xi32, #tpu.memory_space<vmem>> -> memref<1x1024xi32, #tpu.memory_space<vmem>>
    %dma_wait3A_28 = arith.constant 0 : i32
    %dma_wait3A_29 = tpu.memref_slice %arg3[%add3A_4, %dma_wait3A_28] : memref<64x1024xi32, #tpu.memory_space<hbm>> -> memref<1x1024xi32, #tpu.memory_space<hbm>>
    %dma_wait3A_30 = arith.constant 0 : i32
    %dma_wait3A_31 = arith.constant 0 : i32
    %dma_wait3A_32 = tpu.memref_slice %arg5[%dma_wait3A_30, %dma_wait3A_31] : memref<2x1024xi32, #tpu.memory_space<vmem>> -> memref<1x1024xi32, #tpu.memory_space<vmem>>
    %dma_wait3A_33 = arith.constant 0 : i32
    %dma_wait3A_34 = tpu.memref_slice %arg3[%add3A_4, %dma_wait3A_33] : memref<64x1024xi32, #tpu.memory_space<hbm>> -> memref<1x1024xi32, #tpu.memory_space<hbm>>
    tpu.wait_dma2 semaphore(%arg18 : memref<!tpu.dma_semaphore, #tpu.memory_space<semaphore_mem>>) src(%dma_wait3A_34 : memref<1x1024xi32, #tpu.memory_space<hbm>>) dst(%dma_wait3A_32 : memref<1x1024xi32, #tpu.memory_space<vmem>>)
    %add3A_35 = arith.constant 0 : i32
    %add3A_36 = arith.addi %mul3A_2, %add3A_35 : i32
    %dma_start3A_37 = arith.constant 0 : i32
    %dma_start3A_38 = arith.constant 0 : i32
    %dma_start3A_39 = tpu.memref_slice %arg5[%dma_start3A_37, %dma_start3A_38] : memref<2x1024xi32, #tpu.memory_space<vmem>> -> memref<1x128xi32, #tpu.memory_space<vmem>>
    %dma_start3A_40 = tpu.memref_squeeze %dma_start3A_39 : memref<1x128xi32, #tpu.memory_space<vmem>> -> memref<128xi32, #tpu.memory_space<vmem>>
    %dma_start3A_41 = arith.constant 0 : i32
    %dma_start3A_42 = arith.constant 0 : i32
    %dma_start3A_43 = tpu.memref_slice %arg2[%add3A_36, %dma_start3A_41, %dma_start3A_42] : memref<64x4096x128xf32, #tpu.memory_space<hbm>> -> memref<1x4096x128xf32, #tpu.memory_space<hbm>>
    %dma_start3A_44 = tpu.memref_squeeze %dma_start3A_43 : memref<1x4096x128xf32, #tpu.memory_space<hbm>> -> memref<4096x128xf32, #tpu.memory_space<hbm>>
    %dma_start3A_45 = arith.constant 0 : i32
    %dma_start3A_46 = arith.constant 0 : i32
    %dma_start3A_47 = tpu.memref_slice %dma_start3A_44[%dma_start3A_45, %dma_start3A_46] : memref<4096x128xf32, #tpu.memory_space<hbm>> -> memref<4096x128xf32, #tpu.memory_space<hbm>>
    tpu.enqueue_indirect_dma source(%dma_start3A_47 : memref<4096x128xf32, #tpu.memory_space<hbm>>) target(%arg6 : memref<128x128xf32, #tpu.memory_space<vmem>>) offsets(%dma_start3A_40 : memref<128xi32, #tpu.memory_space<vmem>>) semaphore(%arg10 : memref<!tpu.dma_semaphore, #tpu.memory_space<semaphore_mem>>)
    %add3A_48 = arith.constant 0 : i32
    %add3A_49 = arith.addi %mul3A_2, %add3A_48 : i32
    %dma_start3A_50 = arith.constant 0 : i32
    %dma_start3A_51 = arith.constant 128 : i32
    %dma_start3A_52 = tpu.memref_slice %arg5[%dma_start3A_50, %dma_start3A_51] : memref<2x1024xi32, #tpu.memory_space<vmem>> -> memref<1x128xi32, #tpu.memory_space<vmem>>
    %dma_start3A_53 = tpu.memref_squeeze %dma_start3A_52 : memref<1x128xi32, #tpu.memory_space<vmem>> -> memref<128xi32, #tpu.memory_space<vmem>>
    %dma_start3A_54 = arith.constant 0 : i32
    %dma_start3A_55 = arith.constant 0 : i32
    %dma_start3A_56 = tpu.memref_slice %arg2[%add3A_49, %dma_start3A_54, %dma_start3A_55] : memref<64x4096x128xf32, #tpu.memory_space<hbm>> -> memref<1x4096x128xf32, #tpu.memory_space<hbm>>
    %dma_start3A_57 = tpu.memref_squeeze %dma_start3A_56 : memref<1x4096x128xf32, #tpu.memory_space<hbm>> -> memref<4096x128xf32, #tpu.memory_space<hbm>>
    %dma_start3A_58 = arith.constant 0 : i32
    %dma_start3A_59 = arith.constant 0 : i32
    %dma_start3A_60 = tpu.memref_slice %dma_start3A_57[%dma_start3A_58, %dma_start3A_59] : memref<4096x128xf32, #tpu.memory_space<hbm>> -> memref<4096x128xf32, #tpu.memory_space<hbm>>
    tpu.enqueue_indirect_dma source(%dma_start3A_60 : memref<4096x128xf32, #tpu.memory_space<hbm>>) target(%arg7 : memref<128x128xf32, #tpu.memory_space<vmem>>) offsets(%dma_start3A_53 : memref<128xi32, #tpu.memory_space<vmem>>) semaphore(%arg11 : memref<!tpu.dma_semaphore, #tpu.memory_space<semaphore_mem>>)
    %dma_wait3A_61 = arith.constant 1 : i32
    %dma_wait3A_62 = arith.constant 0 : i32
    %dma_wait3A_63 = tpu.memref_slice %arg5[%dma_wait3A_61, %dma_wait3A_62] : memref<2x1024xi32, #tpu.memory_space<vmem>> -> memref<1x1024xi32, #tpu.memory_space<vmem>>
    %dma_wait3A_64 = arith.constant 0 : i32
    %dma_wait3A_65 = tpu.memref_slice %arg3[%add3A_15, %dma_wait3A_64] : memref<64x1024xi32, #tpu.memory_space<hbm>> -> memref<1x1024xi32, #tpu.memory_space<hbm>>
    %dma_wait3A_66 = arith.constant 1 : i32
    %dma_wait3A_67 = arith.constant 0 : i32
    %dma_wait3A_68 = tpu.memref_slice %arg5[%dma_wait3A_66, %dma_wait3A_67] : memref<2x1024xi32, #tpu.memory_space<vmem>> -> memref<1x1024xi32, #tpu.memory_space<vmem>>
    %dma_wait3A_69 = arith.constant 0 : i32
    %dma_wait3A_70 = tpu.memref_slice %arg3[%add3A_15, %dma_wait3A_69] : memref<64x1024xi32, #tpu.memory_space<hbm>> -> memref<1x1024xi32, #tpu.memory_space<hbm>>
    tpu.wait_dma2 semaphore(%arg19 : memref<!tpu.dma_semaphore, #tpu.memory_space<semaphore_mem>>) src(%dma_wait3A_70 : memref<1x1024xi32, #tpu.memory_space<hbm>>) dst(%dma_wait3A_68 : memref<1x1024xi32, #tpu.memory_space<vmem>>)
    %scan3A = arith.constant 0 : i32
    %scan3A_71 = arith.constant 4 : i32
    %scan3A_72 = arith.addi %scan3A, %scan3A_71 : i32
    %scan3A_73 = arith.constant 1 : i32
    scf.for %scan3A_135 = %scan3A to %scan3A_72 step %scan3A_73  : i32 {
      %mul3A_136 = arith.constant 4 : i32
      %mul3A_137 = arith.muli %scan3A_135, %mul3A_136 : i32
      %add3A_138 = arith.constant 0 : i32
      %add3A_139 = arith.addi %mul3A_137, %add3A_138 : i32
      %dma_wait3A_140 = arith.constant 0 : i32
      %dma_wait3A_141 = arith.constant 0 : i32
      %dma_wait3A_142 = arith.constant 0 : i32
      %dma_wait3A_143 = tpu.memref_slice %arg2[%dma_wait3A_140, %dma_wait3A_141, %dma_wait3A_142] : memref<64x4096x128xf32, #tpu.memory_space<hbm>> -> memref<1x4096x128xf32, #tpu.memory_space<hbm>>
      %dma_wait3A_144 = tpu.memref_squeeze %dma_wait3A_143 : memref<1x4096x128xf32, #tpu.memory_space<hbm>> -> memref<4096x128xf32, #tpu.memory_space<hbm>>
      %dma_wait3A_145 = arith.constant 0 : i32
      %dma_wait3A_146 = arith.constant 0 : i32
      %dma_wait3A_147 = tpu.memref_slice %dma_wait3A_144[%dma_wait3A_145, %dma_wait3A_146] : memref<4096x128xf32, #tpu.memory_space<hbm>> -> memref<128x128xf32, #tpu.memory_space<hbm>>
      %dma_wait3A_148 = arith.constant 0 : i32
      %dma_wait3A_149 = arith.constant 0 : i32
      %dma_wait3A_150 = tpu.memref_slice %arg2[%dma_wait3A_140, %dma_wait3A_148, %dma_wait3A_149] : memref<64x4096x128xf32, #tpu.memory_space<hbm>> -> memref<1x4096x128xf32, #tpu.memory_space<hbm>>
      %dma_wait3A_151 = tpu.memref_squeeze %dma_wait3A_150 : memref<1x4096x128xf32, #tpu.memory_space<hbm>> -> memref<4096x128xf32, #tpu.memory_space<hbm>>
      %dma_wait3A_152 = arith.constant 0 : i32
      %dma_wait3A_153 = arith.constant 0 : i32
      %dma_wait3A_154 = tpu.memref_slice %dma_wait3A_151[%dma_wait3A_152, %dma_wait3A_153] : memref<4096x128xf32, #tpu.memory_space<hbm>> -> memref<128x128xf32, #tpu.memory_space<hbm>>
      tpu.wait_dma2 semaphore(%arg10 : memref<!tpu.dma_semaphore, #tpu.memory_space<semaphore_mem>>) src(%dma_wait3A_154 : memref<128x128xf32, #tpu.memory_space<hbm>>) dst(%arg6 : memref<128x128xf32, #tpu.memory_space<vmem>>)
      %jit3A = arith.constant 8 : i32
      %div3A = arith.divsi %add3A_139, %jit3A : i32
      %sign3A = arith.constant 0 : i32
      %sign3A_155 = arith.cmpi sgt, %add3A_139, %sign3A : i32
      %sign3A_156 = arith.extui %sign3A_155 : i1 to i32
      %sign3A_157 = arith.constant 0 : i32
      %sign3A_158 = arith.cmpi slt, %add3A_139, %sign3A_157 : i32
      %sign3A_159 = arith.extui %sign3A_158 : i1 to i32
      %sign3A_160 = arith.subi %sign3A_156, %sign3A_159 : i32
      %sign3A_161 = arith.constant 0 : i32
      %sign3A_162 = arith.cmpi sgt, %jit3A, %sign3A_161 : i32
      %sign3A_163 = arith.extui %sign3A_162 : i1 to i32
      %sign3A_164 = arith.constant 0 : i32
      %sign3A_165 = arith.cmpi slt, %jit3A, %sign3A_164 : i32
      %sign3A_166 = arith.extui %sign3A_165 : i1 to i32
      %sign3A_167 = arith.subi %sign3A_163, %sign3A_166 : i32
      %ne3A = arith.cmpi ne, %sign3A_160, %sign3A_167 : i32
      %rem3A = arith.remsi %add3A_139, %jit3A : i32
      %ne3A_168 = arith.constant 0 : i32
      %ne3A_169 = arith.cmpi ne, %rem3A, %ne3A_168 : i32
      %and3A = arith.andi %ne3A, %ne3A_169 : i1
      %sub3A = arith.constant 1 : i32
      %sub3A_170 = arith.subi %div3A, %sub3A : i32
      %select_n3A = arith.select %and3A, %sub3A_170, %div3A : i32
      %jit3A_171 = arith.constant 8 : i32
      %eq3A = arith.constant 0 : i32
      %eq3A_172 = arith.cmpi eq, %jit3A_171, %eq3A : i32
      %jit3A_173 = arith.constant 1 : i32
      %select_n3A_174 = arith.select %eq3A_172, %jit3A_173, %jit3A_171 : i32
      %rem3A_175 = arith.remsi %add3A_139, %select_n3A_174 : i32
      %ne3A_176 = arith.constant 0 : i32
      %ne3A_177 = arith.cmpi ne, %rem3A_175, %ne3A_176 : i32
      %lt3A = arith.constant 0 : i32
      %lt3A_178 = arith.cmpi slt, %rem3A_175, %lt3A : i32
      %lt3A_179 = arith.constant 0 : i32
      %lt3A_180 = arith.cmpi slt, %select_n3A_174, %lt3A_179 : i32
      %ne3A_181 = arith.xori %lt3A_178, %lt3A_180 : i1
      %and3A_182 = arith.andi %ne3A_181, %ne3A_177 : i1
      %add3A_183 = arith.addi %rem3A_175, %select_n3A_174 : i32
      %select_n3A_184 = arith.select %and3A_182, %add3A_183, %rem3A_175 : i32
      %mul3A_185 = arith.constant 128 : i32
      %mul3A_186 = arith.muli %select_n3A_184, %mul3A_185 : i32
      %add3A_187 = arith.addi %mul3A_2, %select_n3A : i32
      %dma_start3A_188 = arith.constant 0 : i32
      %dma_start3A_189 = arith.constant 0 : i32
      %dma_start3A_190 = tpu.memref_slice %arg4[%add3A_187, %dma_start3A_188, %dma_start3A_189] : memref<64x1024x128xf32, #tpu.memory_space<hbm>> -> memref<1x1024x128xf32, #tpu.memory_space<hbm>>
      %dma_start3A_191 = tpu.memref_squeeze %dma_start3A_190 : memref<1x1024x128xf32, #tpu.memory_space<hbm>> -> memref<1024x128xf32, #tpu.memory_space<hbm>>
      %dma_start3A_192 = arith.constant 0 : i32
      %dma_start3A_193 = tpu.memref_slice %dma_start3A_191[%mul3A_186, %dma_start3A_192] : memref<1024x128xf32, #tpu.memory_space<hbm>> -> memref<128x128xf32, #tpu.memory_space<hbm>>
      %dma_start3A_194 = arith.constant 0 : i32
      %dma_start3A_195 = arith.constant 0 : i32
      %dma_start3A_196 = tpu.memref_slice %arg4[%add3A_187, %dma_start3A_194, %dma_start3A_195] : memref<64x1024x128xf32, #tpu.memory_space<hbm>> -> memref<1x1024x128xf32, #tpu.memory_space<hbm>>
      %dma_start3A_197 = tpu.memref_squeeze %dma_start3A_196 : memref<1x1024x128xf32, #tpu.memory_space<hbm>> -> memref<1024x128xf32, #tpu.memory_space<hbm>>
      %dma_start3A_198 = arith.constant 0 : i32
      %dma_start3A_199 = tpu.memref_slice %dma_start3A_197[%mul3A_186, %dma_start3A_198] : memref<1024x128xf32, #tpu.memory_space<hbm>> -> memref<128x128xf32, #tpu.memory_space<hbm>>
      tpu.enqueue_dma source(%arg6 : memref<128x128xf32, #tpu.memory_space<vmem>>) target(%dma_start3A_199 : memref<128x128xf32, #tpu.memory_space<hbm>>) target_semaphore(%arg14 : memref<!tpu.dma_semaphore, #tpu.memory_space<semaphore_mem>>)
      %add3A_200 = arith.constant 2 : i32
      %add3A_201 = arith.addi %add3A_139, %add3A_200 : i32
      %lt3A_202 = arith.constant 16 : i32
      %lt3A_203 = arith.cmpi slt, %add3A_201, %lt3A_202 : i32
      %convert_element_type3A = arith.extui %lt3A_203 : i1 to i32
      %cond3A = arith.constant 0 : i32
      %cond3A_204 = arith.cmpi ne, %convert_element_type3A, %cond3A : i32
      scf.if %cond3A_204 {
        %ge3A = arith.constant 4 : i32
        %ge3A_448 = arith.cmpi sge, %add3A_201, %ge3A : i32
        %convert_element_type3A_449 = arith.extui %ge3A_448 : i1 to i32
        %cond3A_450 = arith.constant 0 : i32
        %cond3A_451 = arith.cmpi ne, %convert_element_type3A_449, %cond3A_450 : i32
        scf.if %cond3A_451 {
          %dma_wait3A_504 = arith.constant 0 : i32
          %dma_wait3A_505 = arith.constant 0 : i32
          %dma_wait3A_506 = arith.constant 0 : i32
          %dma_wait3A_507 = tpu.memref_slice %arg4[%dma_wait3A_504, %dma_wait3A_505, %dma_wait3A_506] : memref<64x1024x128xf32, #tpu.memory_space<hbm>> -> memref<1x1024x128xf32, #tpu.memory_space<hbm>>
          %dma_wait3A_508 = tpu.memref_squeeze %dma_wait3A_507 : memref<1x1024x128xf32, #tpu.memory_space<hbm>> -> memref<1024x128xf32, #tpu.memory_space<hbm>>
          %dma_wait3A_509 = arith.constant 0 : i32
          %dma_wait3A_510 = arith.constant 0 : i32
          %dma_wait3A_511 = tpu.memref_slice %dma_wait3A_508[%dma_wait3A_509, %dma_wait3A_510] : memref<1024x128xf32, #tpu.memory_space<hbm>> -> memref<128x128xf32, #tpu.memory_space<hbm>>
          %dma_wait3A_512 = arith.constant 0 : i32
          %dma_wait3A_513 = arith.constant 0 : i32
          %dma_wait3A_514 = tpu.memref_slice %arg4[%dma_wait3A_504, %dma_wait3A_512, %dma_wait3A_513] : memref<64x1024x128xf32, #tpu.memory_space<hbm>> -> memref<1x1024x128xf32, #tpu.memory_space<hbm>>
          %dma_wait3A_515 = tpu.memref_squeeze %dma_wait3A_514 : memref<1x1024x128xf32, #tpu.memory_space<hbm>> -> memref<1024x128xf32, #tpu.memory_space<hbm>>
          %dma_wait3A_516 = arith.constant 0 : i32
          %dma_wait3A_517 = arith.constant 0 : i32
          %dma_wait3A_518 = tpu.memref_slice %dma_wait3A_515[%dma_wait3A_516, %dma_wait3A_517] : memref<1024x128xf32, #tpu.memory_space<hbm>> -> memref<128x128xf32, #tpu.memory_space<hbm>>
          tpu.wait_dma2 semaphore(%arg16 : memref<!tpu.dma_semaphore, #tpu.memory_space<semaphore_mem>>) src(%arg8 : memref<128x128xf32, #tpu.memory_space<vmem>>) dst(%dma_wait3A_518 : memref<128x128xf32, #tpu.memory_space<hbm>>)
        } else {
        }
        %jit3A_452 = arith.constant 8 : i32
        %div3A_453 = arith.divsi %add3A_201, %jit3A_452 : i32
        %sign3A_454 = arith.constant 0 : i32
        %sign3A_455 = arith.cmpi sgt, %add3A_201, %sign3A_454 : i32
        %sign3A_456 = arith.extui %sign3A_455 : i1 to i32
        %sign3A_457 = arith.constant 0 : i32
        %sign3A_458 = arith.cmpi slt, %add3A_201, %sign3A_457 : i32
        %sign3A_459 = arith.extui %sign3A_458 : i1 to i32
        %sign3A_460 = arith.subi %sign3A_456, %sign3A_459 : i32
        %sign3A_461 = arith.constant 0 : i32
        %sign3A_462 = arith.cmpi sgt, %jit3A_452, %sign3A_461 : i32
        %sign3A_463 = arith.extui %sign3A_462 : i1 to i32
        %sign3A_464 = arith.constant 0 : i32
        %sign3A_465 = arith.cmpi slt, %jit3A_452, %sign3A_464 : i32
        %sign3A_466 = arith.extui %sign3A_465 : i1 to i32
        %sign3A_467 = arith.subi %sign3A_463, %sign3A_466 : i32
        %ne3A_468 = arith.cmpi ne, %sign3A_460, %sign3A_467 : i32
        %rem3A_469 = arith.remsi %add3A_201, %jit3A_452 : i32
        %ne3A_470 = arith.constant 0 : i32
        %ne3A_471 = arith.cmpi ne, %rem3A_469, %ne3A_470 : i32
        %and3A_472 = arith.andi %ne3A_468, %ne3A_471 : i1
        %sub3A_473 = arith.constant 1 : i32
        %sub3A_474 = arith.subi %div3A_453, %sub3A_473 : i32
        %select_n3A_475 = arith.select %and3A_472, %sub3A_474, %div3A_453 : i32
        %jit3A_476 = arith.constant 8 : i32
        %eq3A_477 = arith.constant 0 : i32
        %eq3A_478 = arith.cmpi eq, %jit3A_476, %eq3A_477 : i32
        %jit3A_479 = arith.constant 1 : i32
        %select_n3A_480 = arith.select %eq3A_478, %jit3A_479, %jit3A_476 : i32
        %rem3A_481 = arith.remsi %add3A_201, %select_n3A_480 : i32
        %ne3A_482 = arith.constant 0 : i32
        %ne3A_483 = arith.cmpi ne, %rem3A_481, %ne3A_482 : i32
        %lt3A_484 = arith.constant 0 : i32
        %lt3A_485 = arith.cmpi slt, %rem3A_481, %lt3A_484 : i32
        %lt3A_486 = arith.constant 0 : i32
        %lt3A_487 = arith.cmpi slt, %select_n3A_480, %lt3A_486 : i32
        %ne3A_488 = arith.xori %lt3A_485, %lt3A_487 : i1
        %and3A_489 = arith.andi %ne3A_488, %ne3A_483 : i1
        %add3A_490 = arith.addi %rem3A_481, %select_n3A_480 : i32
        %select_n3A_491 = arith.select %and3A_489, %add3A_490, %rem3A_481 : i32
        %mul3A_492 = arith.constant 128 : i32
        %mul3A_493 = arith.muli %select_n3A_491, %mul3A_492 : i32
        %add3A_494 = arith.addi %mul3A_2, %select_n3A_475 : i32
        %dma_start3A_495 = tpu.memref_slice %arg5[%select_n3A_475, %mul3A_493] : memref<2x1024xi32, #tpu.memory_space<vmem>> -> memref<1x128xi32, #tpu.memory_space<vmem>>
        %dma_start3A_496 = tpu.memref_squeeze %dma_start3A_495 : memref<1x128xi32, #tpu.memory_space<vmem>> -> memref<128xi32, #tpu.memory_space<vmem>>
        %dma_start3A_497 = arith.constant 0 : i32
        %dma_start3A_498 = arith.constant 0 : i32
        %dma_start3A_499 = tpu.memref_slice %arg2[%add3A_494, %dma_start3A_497, %dma_start3A_498] : memref<64x4096x128xf32, #tpu.memory_space<hbm>> -> memref<1x4096x128xf32, #tpu.memory_space<hbm>>
        %dma_start3A_500 = tpu.memref_squeeze %dma_start3A_499 : memref<1x4096x128xf32, #tpu.memory_space<hbm>> -> memref<4096x128xf32, #tpu.memory_space<hbm>>
        %dma_start3A_501 = arith.constant 0 : i32
        %dma_start3A_502 = arith.constant 0 : i32
        %dma_start3A_503 = tpu.memref_slice %dma_start3A_500[%dma_start3A_501, %dma_start3A_502] : memref<4096x128xf32, #tpu.memory_space<hbm>> -> memref<4096x128xf32, #tpu.memory_space<hbm>>
        tpu.enqueue_indirect_dma source(%dma_start3A_503 : memref<4096x128xf32, #tpu.memory_space<hbm>>) target(%arg8 : memref<128x128xf32, #tpu.memory_space<vmem>>) offsets(%dma_start3A_496 : memref<128xi32, #tpu.memory_space<vmem>>) semaphore(%arg12 : memref<!tpu.dma_semaphore, #tpu.memory_space<semaphore_mem>>)
      } else {
      }
      %mul3A_205 = arith.constant 4 : i32
      %mul3A_206 = arith.muli %scan3A_135, %mul3A_205 : i32
      %add3A_207 = arith.constant 1 : i32
      %add3A_208 = arith.addi %mul3A_206, %add3A_207 : i32
      %dma_wait3A_209 = arith.constant 0 : i32
      %dma_wait3A_210 = arith.constant 0 : i32
      %dma_wait3A_211 = arith.constant 0 : i32
      %dma_wait3A_212 = tpu.memref_slice %arg2[%dma_wait3A_209, %dma_wait3A_210, %dma_wait3A_211] : memref<64x4096x128xf32, #tpu.memory_space<hbm>> -> memref<1x4096x128xf32, #tpu.memory_space<hbm>>
      %dma_wait3A_213 = tpu.memref_squeeze %dma_wait3A_212 : memref<1x4096x128xf32, #tpu.memory_space<hbm>> -> memref<4096x128xf32, #tpu.memory_space<hbm>>
      %dma_wait3A_214 = arith.constant 0 : i32
      %dma_wait3A_215 = arith.constant 0 : i32
      %dma_wait3A_216 = tpu.memref_slice %dma_wait3A_213[%dma_wait3A_214, %dma_wait3A_215] : memref<4096x128xf32, #tpu.memory_space<hbm>> -> memref<128x128xf32, #tpu.memory_space<hbm>>
      %dma_wait3A_217 = arith.constant 0 : i32
      %dma_wait3A_218 = arith.constant 0 : i32
      %dma_wait3A_219 = tpu.memref_slice %arg2[%dma_wait3A_209, %dma_wait3A_217, %dma_wait3A_218] : memref<64x4096x128xf32, #tpu.memory_space<hbm>> -> memref<1x4096x128xf32, #tpu.memory_space<hbm>>
      %dma_wait3A_220 = tpu.memref_squeeze %dma_wait3A_219 : memref<1x4096x128xf32, #tpu.memory_space<hbm>> -> memref<4096x128xf32, #tpu.memory_space<hbm>>
      %dma_wait3A_221 = arith.constant 0 : i32
      %dma_wait3A_222 = arith.constant 0 : i32
      %dma_wait3A_223 = tpu.memref_slice %dma_wait3A_220[%dma_wait3A_221, %dma_wait3A_222] : memref<4096x128xf32, #tpu.memory_space<hbm>> -> memref<128x128xf32, #tpu.memory_space<hbm>>
      tpu.wait_dma2 semaphore(%arg11 : memref<!tpu.dma_semaphore, #tpu.memory_space<semaphore_mem>>) src(%dma_wait3A_223 : memref<128x128xf32, #tpu.memory_space<hbm>>) dst(%arg7 : memref<128x128xf32, #tpu.memory_space<vmem>>)
      %jit3A_224 = arith.constant 8 : i32
      %div3A_225 = arith.divsi %add3A_208, %jit3A_224 : i32
      %sign3A_226 = arith.constant 0 : i32
      %sign3A_227 = arith.cmpi sgt, %add3A_208, %sign3A_226 : i32
      %sign3A_228 = arith.extui %sign3A_227 : i1 to i32
      %sign3A_229 = arith.constant 0 : i32
      %sign3A_230 = arith.cmpi slt, %add3A_208, %sign3A_229 : i32
      %sign3A_231 = arith.extui %sign3A_230 : i1 to i32
      %sign3A_232 = arith.subi %sign3A_228, %sign3A_231 : i32
      %sign3A_233 = arith.constant 0 : i32
      %sign3A_234 = arith.cmpi sgt, %jit3A_224, %sign3A_233 : i32
      %sign3A_235 = arith.extui %sign3A_234 : i1 to i32
      %sign3A_236 = arith.constant 0 : i32
      %sign3A_237 = arith.cmpi slt, %jit3A_224, %sign3A_236 : i32
      %sign3A_238 = arith.extui %sign3A_237 : i1 to i32
      %sign3A_239 = arith.subi %sign3A_235, %sign3A_238 : i32
      %ne3A_240 = arith.cmpi ne, %sign3A_232, %sign3A_239 : i32
      %rem3A_241 = arith.remsi %add3A_208, %jit3A_224 : i32
      %ne3A_242 = arith.constant 0 : i32
      %ne3A_243 = arith.cmpi ne, %rem3A_241, %ne3A_242 : i32
      %and3A_244 = arith.andi %ne3A_240, %ne3A_243 : i1
      %sub3A_245 = arith.constant 1 : i32
      %sub3A_246 = arith.subi %div3A_225, %sub3A_245 : i32
      %select_n3A_247 = arith.select %and3A_244, %sub3A_246, %div3A_225 : i32
      %jit3A_248 = arith.constant 8 : i32
      %eq3A_249 = arith.constant 0 : i32
      %eq3A_250 = arith.cmpi eq, %jit3A_248, %eq3A_249 : i32
      %jit3A_251 = arith.constant 1 : i32
      %select_n3A_252 = arith.select %eq3A_250, %jit3A_251, %jit3A_248 : i32
      %rem3A_253 = arith.remsi %add3A_208, %select_n3A_252 : i32
      %ne3A_254 = arith.constant 0 : i32
      %ne3A_255 = arith.cmpi ne, %rem3A_253, %ne3A_254 : i32
      %lt3A_256 = arith.constant 0 : i32
      %lt3A_257 = arith.cmpi slt, %rem3A_253, %lt3A_256 : i32
      %lt3A_258 = arith.constant 0 : i32
      %lt3A_259 = arith.cmpi slt, %select_n3A_252, %lt3A_258 : i32
      %ne3A_260 = arith.xori %lt3A_257, %lt3A_259 : i1
      %and3A_261 = arith.andi %ne3A_260, %ne3A_255 : i1
      %add3A_262 = arith.addi %rem3A_253, %select_n3A_252 : i32
      %select_n3A_263 = arith.select %and3A_261, %add3A_262, %rem3A_253 : i32
      %mul3A_264 = arith.constant 128 : i32
      %mul3A_265 = arith.muli %select_n3A_263, %mul3A_264 : i32
      %add3A_266 = arith.addi %mul3A_2, %select_n3A_247 : i32
      %dma_start3A_267 = arith.constant 0 : i32
      %dma_start3A_268 = arith.constant 0 : i32
      %dma_start3A_269 = tpu.memref_slice %arg4[%add3A_266, %dma_start3A_267, %dma_start3A_268] : memref<64x1024x128xf32, #tpu.memory_space<hbm>> -> memref<1x1024x128xf32, #tpu.memory_space<hbm>>
      %dma_start3A_270 = tpu.memref_squeeze %dma_start3A_269 : memref<1x1024x128xf32, #tpu.memory_space<hbm>> -> memref<1024x128xf32, #tpu.memory_space<hbm>>
      %dma_start3A_271 = arith.constant 0 : i32
      %dma_start3A_272 = tpu.memref_slice %dma_start3A_270[%mul3A_265, %dma_start3A_271] : memref<1024x128xf32, #tpu.memory_space<hbm>> -> memref<128x128xf32, #tpu.memory_space<hbm>>
      %dma_start3A_273 = arith.constant 0 : i32
      %dma_start3A_274 = arith.constant 0 : i32
      %dma_start3A_275 = tpu.memref_slice %arg4[%add3A_266, %dma_start3A_273, %dma_start3A_274] : memref<64x1024x128xf32, #tpu.memory_space<hbm>> -> memref<1x1024x128xf32, #tpu.memory_space<hbm>>
      %dma_start3A_276 = tpu.memref_squeeze %dma_start3A_275 : memref<1x1024x128xf32, #tpu.memory_space<hbm>> -> memref<1024x128xf32, #tpu.memory_space<hbm>>
      %dma_start3A_277 = arith.constant 0 : i32
      %dma_start3A_278 = tpu.memref_slice %dma_start3A_276[%mul3A_265, %dma_start3A_277] : memref<1024x128xf32, #tpu.memory_space<hbm>> -> memref<128x128xf32, #tpu.memory_space<hbm>>
      tpu.enqueue_dma source(%arg7 : memref<128x128xf32, #tpu.memory_space<vmem>>) target(%dma_start3A_278 : memref<128x128xf32, #tpu.memory_space<hbm>>) target_semaphore(%arg15 : memref<!tpu.dma_semaphore, #tpu.memory_space<semaphore_mem>>)
      %add3A_279 = arith.constant 2 : i32
      %add3A_280 = arith.addi %add3A_208, %add3A_279 : i32
      %lt3A_281 = arith.constant 16 : i32
      %lt3A_282 = arith.cmpi slt, %add3A_280, %lt3A_281 : i32
      %convert_element_type3A_283 = arith.extui %lt3A_282 : i1 to i32
      %cond3A_284 = arith.constant 0 : i32
      %cond3A_285 = arith.cmpi ne, %convert_element_type3A_283, %cond3A_284 : i32
      scf.if %cond3A_285 {
        %ge3A = arith.constant 4 : i32
        %ge3A_448 = arith.cmpi sge, %add3A_280, %ge3A : i32
        %convert_element_type3A_449 = arith.extui %ge3A_448 : i1 to i32
        %cond3A_450 = arith.constant 0 : i32
        %cond3A_451 = arith.cmpi ne, %convert_element_type3A_449, %cond3A_450 : i32
        scf.if %cond3A_451 {
          %dma_wait3A_504 = arith.constant 0 : i32
          %dma_wait3A_505 = arith.constant 0 : i32
          %dma_wait3A_506 = arith.constant 0 : i32
          %dma_wait3A_507 = tpu.memref_slice %arg4[%dma_wait3A_504, %dma_wait3A_505, %dma_wait3A_506] : memref<64x1024x128xf32, #tpu.memory_space<hbm>> -> memref<1x1024x128xf32, #tpu.memory_space<hbm>>
          %dma_wait3A_508 = tpu.memref_squeeze %dma_wait3A_507 : memref<1x1024x128xf32, #tpu.memory_space<hbm>> -> memref<1024x128xf32, #tpu.memory_space<hbm>>
          %dma_wait3A_509 = arith.constant 0 : i32
          %dma_wait3A_510 = arith.constant 0 : i32
          %dma_wait3A_511 = tpu.memref_slice %dma_wait3A_508[%dma_wait3A_509, %dma_wait3A_510] : memref<1024x128xf32, #tpu.memory_space<hbm>> -> memref<128x128xf32, #tpu.memory_space<hbm>>
          %dma_wait3A_512 = arith.constant 0 : i32
          %dma_wait3A_513 = arith.constant 0 : i32
          %dma_wait3A_514 = tpu.memref_slice %arg4[%dma_wait3A_504, %dma_wait3A_512, %dma_wait3A_513] : memref<64x1024x128xf32, #tpu.memory_space<hbm>> -> memref<1x1024x128xf32, #tpu.memory_space<hbm>>
          %dma_wait3A_515 = tpu.memref_squeeze %dma_wait3A_514 : memref<1x1024x128xf32, #tpu.memory_space<hbm>> -> memref<1024x128xf32, #tpu.memory_space<hbm>>
          %dma_wait3A_516 = arith.constant 0 : i32
          %dma_wait3A_517 = arith.constant 0 : i32
          %dma_wait3A_518 = tpu.memref_slice %dma_wait3A_515[%dma_wait3A_516, %dma_wait3A_517] : memref<1024x128xf32, #tpu.memory_space<hbm>> -> memref<128x128xf32, #tpu.memory_space<hbm>>
          tpu.wait_dma2 semaphore(%arg17 : memref<!tpu.dma_semaphore, #tpu.memory_space<semaphore_mem>>) src(%arg9 : memref<128x128xf32, #tpu.memory_space<vmem>>) dst(%dma_wait3A_518 : memref<128x128xf32, #tpu.memory_space<hbm>>)
        } else {
        }
        %jit3A_452 = arith.constant 8 : i32
        %div3A_453 = arith.divsi %add3A_280, %jit3A_452 : i32
        %sign3A_454 = arith.constant 0 : i32
        %sign3A_455 = arith.cmpi sgt, %add3A_280, %sign3A_454 : i32
        %sign3A_456 = arith.extui %sign3A_455 : i1 to i32
        %sign3A_457 = arith.constant 0 : i32
        %sign3A_458 = arith.cmpi slt, %add3A_280, %sign3A_457 : i32
        %sign3A_459 = arith.extui %sign3A_458 : i1 to i32
        %sign3A_460 = arith.subi %sign3A_456, %sign3A_459 : i32
        %sign3A_461 = arith.constant 0 : i32
        %sign3A_462 = arith.cmpi sgt, %jit3A_452, %sign3A_461 : i32
        %sign3A_463 = arith.extui %sign3A_462 : i1 to i32
        %sign3A_464 = arith.constant 0 : i32
        %sign3A_465 = arith.cmpi slt, %jit3A_452, %sign3A_464 : i32
        %sign3A_466 = arith.extui %sign3A_465 : i1 to i32
        %sign3A_467 = arith.subi %sign3A_463, %sign3A_466 : i32
        %ne3A_468 = arith.cmpi ne, %sign3A_460, %sign3A_467 : i32
        %rem3A_469 = arith.remsi %add3A_280, %jit3A_452 : i32
        %ne3A_470 = arith.constant 0 : i32
        %ne3A_471 = arith.cmpi ne, %rem3A_469, %ne3A_470 : i32
        %and3A_472 = arith.andi %ne3A_468, %ne3A_471 : i1
        %sub3A_473 = arith.constant 1 : i32
        %sub3A_474 = arith.subi %div3A_453, %sub3A_473 : i32
        %select_n3A_475 = arith.select %and3A_472, %sub3A_474, %div3A_453 : i32
        %jit3A_476 = arith.constant 8 : i32
        %eq3A_477 = arith.constant 0 : i32
        %eq3A_478 = arith.cmpi eq, %jit3A_476, %eq3A_477 : i32
        %jit3A_479 = arith.constant 1 : i32
        %select_n3A_480 = arith.select %eq3A_478, %jit3A_479, %jit3A_476 : i32
        %rem3A_481 = arith.remsi %add3A_280, %select_n3A_480 : i32
        %ne3A_482 = arith.constant 0 : i32
        %ne3A_483 = arith.cmpi ne, %rem3A_481, %ne3A_482 : i32
        %lt3A_484 = arith.constant 0 : i32
        %lt3A_485 = arith.cmpi slt, %rem3A_481, %lt3A_484 : i32
        %lt3A_486 = arith.constant 0 : i32
        %lt3A_487 = arith.cmpi slt, %select_n3A_480, %lt3A_486 : i32
        %ne3A_488 = arith.xori %lt3A_485, %lt3A_487 : i1
        %and3A_489 = arith.andi %ne3A_488, %ne3A_483 : i1
        %add3A_490 = arith.addi %rem3A_481, %select_n3A_480 : i32
        %select_n3A_491 = arith.select %and3A_489, %add3A_490, %rem3A_481 : i32
        %mul3A_492 = arith.constant 128 : i32
        %mul3A_493 = arith.muli %select_n3A_491, %mul3A_492 : i32
        %add3A_494 = arith.addi %mul3A_2, %select_n3A_475 : i32
        %dma_start3A_495 = tpu.memref_slice %arg5[%select_n3A_475, %mul3A_493] : memref<2x1024xi32, #tpu.memory_space<vmem>> -> memref<1x128xi32, #tpu.memory_space<vmem>>
        %dma_start3A_496 = tpu.memref_squeeze %dma_start3A_495 : memref<1x128xi32, #tpu.memory_space<vmem>> -> memref<128xi32, #tpu.memory_space<vmem>>
        %dma_start3A_497 = arith.constant 0 : i32
        %dma_start3A_498 = arith.constant 0 : i32
        %dma_start3A_499 = tpu.memref_slice %arg2[%add3A_494, %dma_start3A_497, %dma_start3A_498] : memref<64x4096x128xf32, #tpu.memory_space<hbm>> -> memref<1x4096x128xf32, #tpu.memory_space<hbm>>
        %dma_start3A_500 = tpu.memref_squeeze %dma_start3A_499 : memref<1x4096x128xf32, #tpu.memory_space<hbm>> -> memref<4096x128xf32, #tpu.memory_space<hbm>>
        %dma_start3A_501 = arith.constant 0 : i32
        %dma_start3A_502 = arith.constant 0 : i32
        %dma_start3A_503 = tpu.memref_slice %dma_start3A_500[%dma_start3A_501, %dma_start3A_502] : memref<4096x128xf32, #tpu.memory_space<hbm>> -> memref<4096x128xf32, #tpu.memory_space<hbm>>
        tpu.enqueue_indirect_dma source(%dma_start3A_503 : memref<4096x128xf32, #tpu.memory_space<hbm>>) target(%arg9 : memref<128x128xf32, #tpu.memory_space<vmem>>) offsets(%dma_start3A_496 : memref<128xi32, #tpu.memory_space<vmem>>) semaphore(%arg13 : memref<!tpu.dma_semaphore, #tpu.memory_space<semaphore_mem>>)
      } else {
      }
      %mul3A_286 = arith.constant 4 : i32
      %mul3A_287 = arith.muli %scan3A_135, %mul3A_286 : i32
      %add3A_288 = arith.constant 2 : i32
      %add3A_289 = arith.addi %mul3A_287, %add3A_288 : i32
      %dma_wait3A_290 = arith.constant 0 : i32
      %dma_wait3A_291 = arith.constant 0 : i32
      %dma_wait3A_292 = arith.constant 0 : i32
      %dma_wait3A_293 = tpu.memref_slice %arg2[%dma_wait3A_290, %dma_wait3A_291, %dma_wait3A_292] : memref<64x4096x128xf32, #tpu.memory_space<hbm>> -> memref<1x4096x128xf32, #tpu.memory_space<hbm>>
      %dma_wait3A_294 = tpu.memref_squeeze %dma_wait3A_293 : memref<1x4096x128xf32, #tpu.memory_space<hbm>> -> memref<4096x128xf32, #tpu.memory_space<hbm>>
      %dma_wait3A_295 = arith.constant 0 : i32
      %dma_wait3A_296 = arith.constant 0 : i32
      %dma_wait3A_297 = tpu.memref_slice %dma_wait3A_294[%dma_wait3A_295, %dma_wait3A_296] : memref<4096x128xf32, #tpu.memory_space<hbm>> -> memref<128x128xf32, #tpu.memory_space<hbm>>
      %dma_wait3A_298 = arith.constant 0 : i32
      %dma_wait3A_299 = arith.constant 0 : i32
      %dma_wait3A_300 = tpu.memref_slice %arg2[%dma_wait3A_290, %dma_wait3A_298, %dma_wait3A_299] : memref<64x4096x128xf32, #tpu.memory_space<hbm>> -> memref<1x4096x128xf32, #tpu.memory_space<hbm>>
      %dma_wait3A_301 = tpu.memref_squeeze %dma_wait3A_300 : memref<1x4096x128xf32, #tpu.memory_space<hbm>> -> memref<4096x128xf32, #tpu.memory_space<hbm>>
      %dma_wait3A_302 = arith.constant 0 : i32
      %dma_wait3A_303 = arith.constant 0 : i32
      %dma_wait3A_304 = tpu.memref_slice %dma_wait3A_301[%dma_wait3A_302, %dma_wait3A_303] : memref<4096x128xf32, #tpu.memory_space<hbm>> -> memref<128x128xf32, #tpu.memory_space<hbm>>
      tpu.wait_dma2 semaphore(%arg12 : memref<!tpu.dma_semaphore, #tpu.memory_space<semaphore_mem>>) src(%dma_wait3A_304 : memref<128x128xf32, #tpu.memory_space<hbm>>) dst(%arg8 : memref<128x128xf32, #tpu.memory_space<vmem>>)
      %jit3A_305 = arith.constant 8 : i32
      %div3A_306 = arith.divsi %add3A_289, %jit3A_305 : i32
      %sign3A_307 = arith.constant 0 : i32
      %sign3A_308 = arith.cmpi sgt, %add3A_289, %sign3A_307 : i32
      %sign3A_309 = arith.extui %sign3A_308 : i1 to i32
      %sign3A_310 = arith.constant 0 : i32
      %sign3A_311 = arith.cmpi slt, %add3A_289, %sign3A_310 : i32
      %sign3A_312 = arith.extui %sign3A_311 : i1 to i32
      %sign3A_313 = arith.subi %sign3A_309, %sign3A_312 : i32
      %sign3A_314 = arith.constant 0 : i32
      %sign3A_315 = arith.cmpi sgt, %jit3A_305, %sign3A_314 : i32
      %sign3A_316 = arith.extui %sign3A_315 : i1 to i32
      %sign3A_317 = arith.constant 0 : i32
      %sign3A_318 = arith.cmpi slt, %jit3A_305, %sign3A_317 : i32
      %sign3A_319 = arith.extui %sign3A_318 : i1 to i32
      %sign3A_320 = arith.subi %sign3A_316, %sign3A_319 : i32
      %ne3A_321 = arith.cmpi ne, %sign3A_313, %sign3A_320 : i32
      %rem3A_322 = arith.remsi %add3A_289, %jit3A_305 : i32
      %ne3A_323 = arith.constant 0 : i32
      %ne3A_324 = arith.cmpi ne, %rem3A_322, %ne3A_323 : i32
      %and3A_325 = arith.andi %ne3A_321, %ne3A_324 : i1
      %sub3A_326 = arith.constant 1 : i32
      %sub3A_327 = arith.subi %div3A_306, %sub3A_326 : i32
      %select_n3A_328 = arith.select %and3A_325, %sub3A_327, %div3A_306 : i32
      %jit3A_329 = arith.constant 8 : i32
      %eq3A_330 = arith.constant 0 : i32
      %eq3A_331 = arith.cmpi eq, %jit3A_329, %eq3A_330 : i32
      %jit3A_332 = arith.constant 1 : i32
      %select_n3A_333 = arith.select %eq3A_331, %jit3A_332, %jit3A_329 : i32
      %rem3A_334 = arith.remsi %add3A_289, %select_n3A_333 : i32
      %ne3A_335 = arith.constant 0 : i32
      %ne3A_336 = arith.cmpi ne, %rem3A_334, %ne3A_335 : i32
      %lt3A_337 = arith.constant 0 : i32
      %lt3A_338 = arith.cmpi slt, %rem3A_334, %lt3A_337 : i32
      %lt3A_339 = arith.constant 0 : i32
      %lt3A_340 = arith.cmpi slt, %select_n3A_333, %lt3A_339 : i32
      %ne3A_341 = arith.xori %lt3A_338, %lt3A_340 : i1
      %and3A_342 = arith.andi %ne3A_341, %ne3A_336 : i1
      %add3A_343 = arith.addi %rem3A_334, %select_n3A_333 : i32
      %select_n3A_344 = arith.select %and3A_342, %add3A_343, %rem3A_334 : i32
      %mul3A_345 = arith.constant 128 : i32
      %mul3A_346 = arith.muli %select_n3A_344, %mul3A_345 : i32
      %add3A_347 = arith.addi %mul3A_2, %select_n3A_328 : i32
      %dma_start3A_348 = arith.constant 0 : i32
      %dma_start3A_349 = arith.constant 0 : i32
      %dma_start3A_350 = tpu.memref_slice %arg4[%add3A_347, %dma_start3A_348, %dma_start3A_349] : memref<64x1024x128xf32, #tpu.memory_space<hbm>> -> memref<1x1024x128xf32, #tpu.memory_space<hbm>>
      %dma_start3A_351 = tpu.memref_squeeze %dma_start3A_350 : memref<1x1024x128xf32, #tpu.memory_space<hbm>> -> memref<1024x128xf32, #tpu.memory_space<hbm>>
      %dma_start3A_352 = arith.constant 0 : i32
      %dma_start3A_353 = tpu.memref_slice %dma_start3A_351[%mul3A_346, %dma_start3A_352] : memref<1024x128xf32, #tpu.memory_space<hbm>> -> memref<128x128xf32, #tpu.memory_space<hbm>>
      %dma_start3A_354 = arith.constant 0 : i32
      %dma_start3A_355 = arith.constant 0 : i32
      %dma_start3A_356 = tpu.memref_slice %arg4[%add3A_347, %dma_start3A_354, %dma_start3A_355] : memref<64x1024x128xf32, #tpu.memory_space<hbm>> -> memref<1x1024x128xf32, #tpu.memory_space<hbm>>
      %dma_start3A_357 = tpu.memref_squeeze %dma_start3A_356 : memref<1x1024x128xf32, #tpu.memory_space<hbm>> -> memref<1024x128xf32, #tpu.memory_space<hbm>>
      %dma_start3A_358 = arith.constant 0 : i32
      %dma_start3A_359 = tpu.memref_slice %dma_start3A_357[%mul3A_346, %dma_start3A_358] : memref<1024x128xf32, #tpu.memory_space<hbm>> -> memref<128x128xf32, #tpu.memory_space<hbm>>
      tpu.enqueue_dma source(%arg8 : memref<128x128xf32, #tpu.memory_space<vmem>>) target(%dma_start3A_359 : memref<128x128xf32, #tpu.memory_space<hbm>>) target_semaphore(%arg16 : memref<!tpu.dma_semaphore, #tpu.memory_space<semaphore_mem>>)
      %add3A_360 = arith.constant 2 : i32
      %add3A_361 = arith.addi %add3A_289, %add3A_360 : i32
      %lt3A_362 = arith.constant 16 : i32
      %lt3A_363 = arith.cmpi slt, %add3A_361, %lt3A_362 : i32
      %convert_element_type3A_364 = arith.extui %lt3A_363 : i1 to i32
      %cond3A_365 = arith.constant 0 : i32
      %cond3A_366 = arith.cmpi ne, %convert_element_type3A_364, %cond3A_365 : i32
      scf.if %cond3A_366 {
        %ge3A = arith.constant 4 : i32
        %ge3A_448 = arith.cmpi sge, %add3A_361, %ge3A : i32
        %convert_element_type3A_449 = arith.extui %ge3A_448 : i1 to i32
        %cond3A_450 = arith.constant 0 : i32
        %cond3A_451 = arith.cmpi ne, %convert_element_type3A_449, %cond3A_450 : i32
        scf.if %cond3A_451 {
          %dma_wait3A_504 = arith.constant 0 : i32
          %dma_wait3A_505 = arith.constant 0 : i32
          %dma_wait3A_506 = arith.constant 0 : i32
          %dma_wait3A_507 = tpu.memref_slice %arg4[%dma_wait3A_504, %dma_wait3A_505, %dma_wait3A_506] : memref<64x1024x128xf32, #tpu.memory_space<hbm>> -> memref<1x1024x128xf32, #tpu.memory_space<hbm>>
          %dma_wait3A_508 = tpu.memref_squeeze %dma_wait3A_507 : memref<1x1024x128xf32, #tpu.memory_space<hbm>> -> memref<1024x128xf32, #tpu.memory_space<hbm>>
          %dma_wait3A_509 = arith.constant 0 : i32
          %dma_wait3A_510 = arith.constant 0 : i32
          %dma_wait3A_511 = tpu.memref_slice %dma_wait3A_508[%dma_wait3A_509, %dma_wait3A_510] : memref<1024x128xf32, #tpu.memory_space<hbm>> -> memref<128x128xf32, #tpu.memory_space<hbm>>
          %dma_wait3A_512 = arith.constant 0 : i32
          %dma_wait3A_513 = arith.constant 0 : i32
          %dma_wait3A_514 = tpu.memref_slice %arg4[%dma_wait3A_504, %dma_wait3A_512, %dma_wait3A_513] : memref<64x1024x128xf32, #tpu.memory_space<hbm>> -> memref<1x1024x128xf32, #tpu.memory_space<hbm>>
          %dma_wait3A_515 = tpu.memref_squeeze %dma_wait3A_514 : memref<1x1024x128xf32, #tpu.memory_space<hbm>> -> memref<1024x128xf32, #tpu.memory_space<hbm>>
          %dma_wait3A_516 = arith.constant 0 : i32
          %dma_wait3A_517 = arith.constant 0 : i32
          %dma_wait3A_518 = tpu.memref_slice %dma_wait3A_515[%dma_wait3A_516, %dma_wait3A_517] : memref<1024x128xf32, #tpu.memory_space<hbm>> -> memref<128x128xf32, #tpu.memory_space<hbm>>
          tpu.wait_dma2 semaphore(%arg14 : memref<!tpu.dma_semaphore, #tpu.memory_space<semaphore_mem>>) src(%arg6 : memref<128x128xf32, #tpu.memory_space<vmem>>) dst(%dma_wait3A_518 : memref<128x128xf32, #tpu.memory_space<hbm>>)
        } else {
        }
        %jit3A_452 = arith.constant 8 : i32
        %div3A_453 = arith.divsi %add3A_361, %jit3A_452 : i32
        %sign3A_454 = arith.constant 0 : i32
        %sign3A_455 = arith.cmpi sgt, %add3A_361, %sign3A_454 : i32
        %sign3A_456 = arith.extui %sign3A_455 : i1 to i32
        %sign3A_457 = arith.constant 0 : i32
        %sign3A_458 = arith.cmpi slt, %add3A_361, %sign3A_457 : i32
        %sign3A_459 = arith.extui %sign3A_458 : i1 to i32
        %sign3A_460 = arith.subi %sign3A_456, %sign3A_459 : i32
        %sign3A_461 = arith.constant 0 : i32
        %sign3A_462 = arith.cmpi sgt, %jit3A_452, %sign3A_461 : i32
        %sign3A_463 = arith.extui %sign3A_462 : i1 to i32
        %sign3A_464 = arith.constant 0 : i32
        %sign3A_465 = arith.cmpi slt, %jit3A_452, %sign3A_464 : i32
        %sign3A_466 = arith.extui %sign3A_465 : i1 to i32
        %sign3A_467 = arith.subi %sign3A_463, %sign3A_466 : i32
        %ne3A_468 = arith.cmpi ne, %sign3A_460, %sign3A_467 : i32
        %rem3A_469 = arith.remsi %add3A_361, %jit3A_452 : i32
        %ne3A_470 = arith.constant 0 : i32
        %ne3A_471 = arith.cmpi ne, %rem3A_469, %ne3A_470 : i32
        %and3A_472 = arith.andi %ne3A_468, %ne3A_471 : i1
        %sub3A_473 = arith.constant 1 : i32
        %sub3A_474 = arith.subi %div3A_453, %sub3A_473 : i32
        %select_n3A_475 = arith.select %and3A_472, %sub3A_474, %div3A_453 : i32
        %jit3A_476 = arith.constant 8 : i32
        %eq3A_477 = arith.constant 0 : i32
        %eq3A_478 = arith.cmpi eq, %jit3A_476, %eq3A_477 : i32
        %jit3A_479 = arith.constant 1 : i32
        %select_n3A_480 = arith.select %eq3A_478, %jit3A_479, %jit3A_476 : i32
        %rem3A_481 = arith.remsi %add3A_361, %select_n3A_480 : i32
        %ne3A_482 = arith.constant 0 : i32
        %ne3A_483 = arith.cmpi ne, %rem3A_481, %ne3A_482 : i32
        %lt3A_484 = arith.constant 0 : i32
        %lt3A_485 = arith.cmpi slt, %rem3A_481, %lt3A_484 : i32
        %lt3A_486 = arith.constant 0 : i32
        %lt3A_487 = arith.cmpi slt, %select_n3A_480, %lt3A_486 : i32
        %ne3A_488 = arith.xori %lt3A_485, %lt3A_487 : i1
        %and3A_489 = arith.andi %ne3A_488, %ne3A_483 : i1
        %add3A_490 = arith.addi %rem3A_481, %select_n3A_480 : i32
        %select_n3A_491 = arith.select %and3A_489, %add3A_490, %rem3A_481 : i32
        %mul3A_492 = arith.constant 128 : i32
        %mul3A_493 = arith.muli %select_n3A_491, %mul3A_492 : i32
        %add3A_494 = arith.addi %mul3A_2, %select_n3A_475 : i32
        %dma_start3A_495 = tpu.memref_slice %arg5[%select_n3A_475, %mul3A_493] : memref<2x1024xi32, #tpu.memory_space<vmem>> -> memref<1x128xi32, #tpu.memory_space<vmem>>
        %dma_start3A_496 = tpu.memref_squeeze %dma_start3A_495 : memref<1x128xi32, #tpu.memory_space<vmem>> -> memref<128xi32, #tpu.memory_space<vmem>>
        %dma_start3A_497 = arith.constant 0 : i32
        %dma_start3A_498 = arith.constant 0 : i32
        %dma_start3A_499 = tpu.memref_slice %arg2[%add3A_494, %dma_start3A_497, %dma_start3A_498] : memref<64x4096x128xf32, #tpu.memory_space<hbm>> -> memref<1x4096x128xf32, #tpu.memory_space<hbm>>
        %dma_start3A_500 = tpu.memref_squeeze %dma_start3A_499 : memref<1x4096x128xf32, #tpu.memory_space<hbm>> -> memref<4096x128xf32, #tpu.memory_space<hbm>>
        %dma_start3A_501 = arith.constant 0 : i32
        %dma_start3A_502 = arith.constant 0 : i32
        %dma_start3A_503 = tpu.memref_slice %dma_start3A_500[%dma_start3A_501, %dma_start3A_502] : memref<4096x128xf32, #tpu.memory_space<hbm>> -> memref<4096x128xf32, #tpu.memory_space<hbm>>
        tpu.enqueue_indirect_dma source(%dma_start3A_503 : memref<4096x128xf32, #tpu.memory_space<hbm>>) target(%arg6 : memref<128x128xf32, #tpu.memory_space<vmem>>) offsets(%dma_start3A_496 : memref<128xi32, #tpu.memory_space<vmem>>) semaphore(%arg10 : memref<!tpu.dma_semaphore, #tpu.memory_space<semaphore_mem>>)
      } else {
      }
      %mul3A_367 = arith.constant 4 : i32
      %mul3A_368 = arith.muli %scan3A_135, %mul3A_367 : i32
      %add3A_369 = arith.constant 3 : i32
      %add3A_370 = arith.addi %mul3A_368, %add3A_369 : i32
      %dma_wait3A_371 = arith.constant 0 : i32
      %dma_wait3A_372 = arith.constant 0 : i32
      %dma_wait3A_373 = arith.constant 0 : i32
      %dma_wait3A_374 = tpu.memref_slice %arg2[%dma_wait3A_371, %dma_wait3A_372, %dma_wait3A_373] : memref<64x4096x128xf32, #tpu.memory_space<hbm>> -> memref<1x4096x128xf32, #tpu.memory_space<hbm>>
      %dma_wait3A_375 = tpu.memref_squeeze %dma_wait3A_374 : memref<1x4096x128xf32, #tpu.memory_space<hbm>> -> memref<4096x128xf32, #tpu.memory_space<hbm>>
      %dma_wait3A_376 = arith.constant 0 : i32
      %dma_wait3A_377 = arith.constant 0 : i32
      %dma_wait3A_378 = tpu.memref_slice %dma_wait3A_375[%dma_wait3A_376, %dma_wait3A_377] : memref<4096x128xf32, #tpu.memory_space<hbm>> -> memref<128x128xf32, #tpu.memory_space<hbm>>
      %dma_wait3A_379 = arith.constant 0 : i32
      %dma_wait3A_380 = arith.constant 0 : i32
      %dma_wait3A_381 = tpu.memref_slice %arg2[%dma_wait3A_371, %dma_wait3A_379, %dma_wait3A_380] : memref<64x4096x128xf32, #tpu.memory_space<hbm>> -> memref<1x4096x128xf32, #tpu.memory_space<hbm>>
      %dma_wait3A_382 = tpu.memref_squeeze %dma_wait3A_381 : memref<1x4096x128xf32, #tpu.memory_space<hbm>> -> memref<4096x128xf32, #tpu.memory_space<hbm>>
      %dma_wait3A_383 = arith.constant 0 : i32
      %dma_wait3A_384 = arith.constant 0 : i32
      %dma_wait3A_385 = tpu.memref_slice %dma_wait3A_382[%dma_wait3A_383, %dma_wait3A_384] : memref<4096x128xf32, #tpu.memory_space<hbm>> -> memref<128x128xf32, #tpu.memory_space<hbm>>
      tpu.wait_dma2 semaphore(%arg13 : memref<!tpu.dma_semaphore, #tpu.memory_space<semaphore_mem>>) src(%dma_wait3A_385 : memref<128x128xf32, #tpu.memory_space<hbm>>) dst(%arg9 : memref<128x128xf32, #tpu.memory_space<vmem>>)
      %jit3A_386 = arith.constant 8 : i32
      %div3A_387 = arith.divsi %add3A_370, %jit3A_386 : i32
      %sign3A_388 = arith.constant 0 : i32
      %sign3A_389 = arith.cmpi sgt, %add3A_370, %sign3A_388 : i32
      %sign3A_390 = arith.extui %sign3A_389 : i1 to i32
      %sign3A_391 = arith.constant 0 : i32
      %sign3A_392 = arith.cmpi slt, %add3A_370, %sign3A_391 : i32
      %sign3A_393 = arith.extui %sign3A_392 : i1 to i32
      %sign3A_394 = arith.subi %sign3A_390, %sign3A_393 : i32
      %sign3A_395 = arith.constant 0 : i32
      %sign3A_396 = arith.cmpi sgt, %jit3A_386, %sign3A_395 : i32
      %sign3A_397 = arith.extui %sign3A_396 : i1 to i32
      %sign3A_398 = arith.constant 0 : i32
      %sign3A_399 = arith.cmpi slt, %jit3A_386, %sign3A_398 : i32
      %sign3A_400 = arith.extui %sign3A_399 : i1 to i32
      %sign3A_401 = arith.subi %sign3A_397, %sign3A_400 : i32
      %ne3A_402 = arith.cmpi ne, %sign3A_394, %sign3A_401 : i32
      %rem3A_403 = arith.remsi %add3A_370, %jit3A_386 : i32
      %ne3A_404 = arith.constant 0 : i32
      %ne3A_405 = arith.cmpi ne, %rem3A_403, %ne3A_404 : i32
      %and3A_406 = arith.andi %ne3A_402, %ne3A_405 : i1
      %sub3A_407 = arith.constant 1 : i32
      %sub3A_408 = arith.subi %div3A_387, %sub3A_407 : i32
      %select_n3A_409 = arith.select %and3A_406, %sub3A_408, %div3A_387 : i32
      %jit3A_410 = arith.constant 8 : i32
      %eq3A_411 = arith.constant 0 : i32
      %eq3A_412 = arith.cmpi eq, %jit3A_410, %eq3A_411 : i32
      %jit3A_413 = arith.constant 1 : i32
      %select_n3A_414 = arith.select %eq3A_412, %jit3A_413, %jit3A_410 : i32
      %rem3A_415 = arith.remsi %add3A_370, %select_n3A_414 : i32
      %ne3A_416 = arith.constant 0 : i32
      %ne3A_417 = arith.cmpi ne, %rem3A_415, %ne3A_416 : i32
      %lt3A_418 = arith.constant 0 : i32
      %lt3A_419 = arith.cmpi slt, %rem3A_415, %lt3A_418 : i32
      %lt3A_420 = arith.constant 0 : i32
      %lt3A_421 = arith.cmpi slt, %select_n3A_414, %lt3A_420 : i32
      %ne3A_422 = arith.xori %lt3A_419, %lt3A_421 : i1
      %and3A_423 = arith.andi %ne3A_422, %ne3A_417 : i1
      %add3A_424 = arith.addi %rem3A_415, %select_n3A_414 : i32
      %select_n3A_425 = arith.select %and3A_423, %add3A_424, %rem3A_415 : i32
      %mul3A_426 = arith.constant 128 : i32
      %mul3A_427 = arith.muli %select_n3A_425, %mul3A_426 : i32
      %add3A_428 = arith.addi %mul3A_2, %select_n3A_409 : i32
      %dma_start3A_429 = arith.constant 0 : i32
      %dma_start3A_430 = arith.constant 0 : i32
      %dma_start3A_431 = tpu.memref_slice %arg4[%add3A_428, %dma_start3A_429, %dma_start3A_430] : memref<64x1024x128xf32, #tpu.memory_space<hbm>> -> memref<1x1024x128xf32, #tpu.memory_space<hbm>>
      %dma_start3A_432 = tpu.memref_squeeze %dma_start3A_431 : memref<1x1024x128xf32, #tpu.memory_space<hbm>> -> memref<1024x128xf32, #tpu.memory_space<hbm>>
      %dma_start3A_433 = arith.constant 0 : i32
      %dma_start3A_434 = tpu.memref_slice %dma_start3A_432[%mul3A_427, %dma_start3A_433] : memref<1024x128xf32, #tpu.memory_space<hbm>> -> memref<128x128xf32, #tpu.memory_space<hbm>>
      %dma_start3A_435 = arith.constant 0 : i32
      %dma_start3A_436 = arith.constant 0 : i32
      %dma_start3A_437 = tpu.memref_slice %arg4[%add3A_428, %dma_start3A_435, %dma_start3A_436] : memref<64x1024x128xf32, #tpu.memory_space<hbm>> -> memref<1x1024x128xf32, #tpu.memory_space<hbm>>
      %dma_start3A_438 = tpu.memref_squeeze %dma_start3A_437 : memref<1x1024x128xf32, #tpu.memory_space<hbm>> -> memref<1024x128xf32, #tpu.memory_space<hbm>>
      %dma_start3A_439 = arith.constant 0 : i32
      %dma_start3A_440 = tpu.memref_slice %dma_start3A_438[%mul3A_427, %dma_start3A_439] : memref<1024x128xf32, #tpu.memory_space<hbm>> -> memref<128x128xf32, #tpu.memory_space<hbm>>
      tpu.enqueue_dma source(%arg9 : memref<128x128xf32, #tpu.memory_space<vmem>>) target(%dma_start3A_440 : memref<128x128xf32, #tpu.memory_space<hbm>>) target_semaphore(%arg17 : memref<!tpu.dma_semaphore, #tpu.memory_space<semaphore_mem>>)
      %add3A_441 = arith.constant 2 : i32
      %add3A_442 = arith.addi %add3A_370, %add3A_441 : i32
      %lt3A_443 = arith.constant 16 : i32
      %lt3A_444 = arith.cmpi slt, %add3A_442, %lt3A_443 : i32
      %convert_element_type3A_445 = arith.extui %lt3A_444 : i1 to i32
      %cond3A_446 = arith.constant 0 : i32
      %cond3A_447 = arith.cmpi ne, %convert_element_type3A_445, %cond3A_446 : i32
      scf.if %cond3A_447 {
        %ge3A = arith.constant 4 : i32
        %ge3A_448 = arith.cmpi sge, %add3A_442, %ge3A : i32
        %convert_element_type3A_449 = arith.extui %ge3A_448 : i1 to i32
        %cond3A_450 = arith.constant 0 : i32
        %cond3A_451 = arith.cmpi ne, %convert_element_type3A_449, %cond3A_450 : i32
        scf.if %cond3A_451 {
          %dma_wait3A_504 = arith.constant 0 : i32
          %dma_wait3A_505 = arith.constant 0 : i32
          %dma_wait3A_506 = arith.constant 0 : i32
          %dma_wait3A_507 = tpu.memref_slice %arg4[%dma_wait3A_504, %dma_wait3A_505, %dma_wait3A_506] : memref<64x1024x128xf32, #tpu.memory_space<hbm>> -> memref<1x1024x128xf32, #tpu.memory_space<hbm>>
          %dma_wait3A_508 = tpu.memref_squeeze %dma_wait3A_507 : memref<1x1024x128xf32, #tpu.memory_space<hbm>> -> memref<1024x128xf32, #tpu.memory_space<hbm>>
          %dma_wait3A_509 = arith.constant 0 : i32
          %dma_wait3A_510 = arith.constant 0 : i32
          %dma_wait3A_511 = tpu.memref_slice %dma_wait3A_508[%dma_wait3A_509, %dma_wait3A_510] : memref<1024x128xf32, #tpu.memory_space<hbm>> -> memref<128x128xf32, #tpu.memory_space<hbm>>
          %dma_wait3A_512 = arith.constant 0 : i32
          %dma_wait3A_513 = arith.constant 0 : i32
          %dma_wait3A_514 = tpu.memref_slice %arg4[%dma_wait3A_504, %dma_wait3A_512, %dma_wait3A_513] : memref<64x1024x128xf32, #tpu.memory_space<hbm>> -> memref<1x1024x128xf32, #tpu.memory_space<hbm>>
          %dma_wait3A_515 = tpu.memref_squeeze %dma_wait3A_514 : memref<1x1024x128xf32, #tpu.memory_space<hbm>> -> memref<1024x128xf32, #tpu.memory_space<hbm>>
          %dma_wait3A_516 = arith.constant 0 : i32
          %dma_wait3A_517 = arith.constant 0 : i32
          %dma_wait3A_518 = tpu.memref_slice %dma_wait3A_515[%dma_wait3A_516, %dma_wait3A_517] : memref<1024x128xf32, #tpu.memory_space<hbm>> -> memref<128x128xf32, #tpu.memory_space<hbm>>
          tpu.wait_dma2 semaphore(%arg15 : memref<!tpu.dma_semaphore, #tpu.memory_space<semaphore_mem>>) src(%arg7 : memref<128x128xf32, #tpu.memory_space<vmem>>) dst(%dma_wait3A_518 : memref<128x128xf32, #tpu.memory_space<hbm>>)
        } else {
        }
        %jit3A_452 = arith.constant 8 : i32
        %div3A_453 = arith.divsi %add3A_442, %jit3A_452 : i32
        %sign3A_454 = arith.constant 0 : i32
        %sign3A_455 = arith.cmpi sgt, %add3A_442, %sign3A_454 : i32
        %sign3A_456 = arith.extui %sign3A_455 : i1 to i32
        %sign3A_457 = arith.constant 0 : i32
        %sign3A_458 = arith.cmpi slt, %add3A_442, %sign3A_457 : i32
        %sign3A_459 = arith.extui %sign3A_458 : i1 to i32
        %sign3A_460 = arith.subi %sign3A_456, %sign3A_459 : i32
        %sign3A_461 = arith.constant 0 : i32
        %sign3A_462 = arith.cmpi sgt, %jit3A_452, %sign3A_461 : i32
        %sign3A_463 = arith.extui %sign3A_462 : i1 to i32
        %sign3A_464 = arith.constant 0 : i32
        %sign3A_465 = arith.cmpi slt, %jit3A_452, %sign3A_464 : i32
        %sign3A_466 = arith.extui %sign3A_465 : i1 to i32
        %sign3A_467 = arith.subi %sign3A_463, %sign3A_466 : i32
        %ne3A_468 = arith.cmpi ne, %sign3A_460, %sign3A_467 : i32
        %rem3A_469 = arith.remsi %add3A_442, %jit3A_452 : i32
        %ne3A_470 = arith.constant 0 : i32
        %ne3A_471 = arith.cmpi ne, %rem3A_469, %ne3A_470 : i32
        %and3A_472 = arith.andi %ne3A_468, %ne3A_471 : i1
        %sub3A_473 = arith.constant 1 : i32
        %sub3A_474 = arith.subi %div3A_453, %sub3A_473 : i32
        %select_n3A_475 = arith.select %and3A_472, %sub3A_474, %div3A_453 : i32
        %jit3A_476 = arith.constant 8 : i32
        %eq3A_477 = arith.constant 0 : i32
        %eq3A_478 = arith.cmpi eq, %jit3A_476, %eq3A_477 : i32
        %jit3A_479 = arith.constant 1 : i32
        %select_n3A_480 = arith.select %eq3A_478, %jit3A_479, %jit3A_476 : i32
        %rem3A_481 = arith.remsi %add3A_442, %select_n3A_480 : i32
        %ne3A_482 = arith.constant 0 : i32
        %ne3A_483 = arith.cmpi ne, %rem3A_481, %ne3A_482 : i32
        %lt3A_484 = arith.constant 0 : i32
        %lt3A_485 = arith.cmpi slt, %rem3A_481, %lt3A_484 : i32
        %lt3A_486 = arith.constant 0 : i32
        %lt3A_487 = arith.cmpi slt, %select_n3A_480, %lt3A_486 : i32
        %ne3A_488 = arith.xori %lt3A_485, %lt3A_487 : i1
        %and3A_489 = arith.andi %ne3A_488, %ne3A_483 : i1
        %add3A_490 = arith.addi %rem3A_481, %select_n3A_480 : i32
        %select_n3A_491 = arith.select %and3A_489, %add3A_490, %rem3A_481 : i32
        %mul3A_492 = arith.constant 128 : i32
        %mul3A_493 = arith.muli %select_n3A_491, %mul3A_492 : i32
        %add3A_494 = arith.addi %mul3A_2, %select_n3A_475 : i32
        %dma_start3A_495 = tpu.memref_slice %arg5[%select_n3A_475, %mul3A_493] : memref<2x1024xi32, #tpu.memory_space<vmem>> -> memref<1x128xi32, #tpu.memory_space<vmem>>
        %dma_start3A_496 = tpu.memref_squeeze %dma_start3A_495 : memref<1x128xi32, #tpu.memory_space<vmem>> -> memref<128xi32, #tpu.memory_space<vmem>>
        %dma_start3A_497 = arith.constant 0 : i32
        %dma_start3A_498 = arith.constant 0 : i32
        %dma_start3A_499 = tpu.memref_slice %arg2[%add3A_494, %dma_start3A_497, %dma_start3A_498] : memref<64x4096x128xf32, #tpu.memory_space<hbm>> -> memref<1x4096x128xf32, #tpu.memory_space<hbm>>
        %dma_start3A_500 = tpu.memref_squeeze %dma_start3A_499 : memref<1x4096x128xf32, #tpu.memory_space<hbm>> -> memref<4096x128xf32, #tpu.memory_space<hbm>>
        %dma_start3A_501 = arith.constant 0 : i32
        %dma_start3A_502 = arith.constant 0 : i32
        %dma_start3A_503 = tpu.memref_slice %dma_start3A_500[%dma_start3A_501, %dma_start3A_502] : memref<4096x128xf32, #tpu.memory_space<hbm>> -> memref<4096x128xf32, #tpu.memory_space<hbm>>
        tpu.enqueue_indirect_dma source(%dma_start3A_503 : memref<4096x128xf32, #tpu.memory_space<hbm>>) target(%arg7 : memref<128x128xf32, #tpu.memory_space<vmem>>) offsets(%dma_start3A_496 : memref<128xi32, #tpu.memory_space<vmem>>) semaphore(%arg11 : memref<!tpu.dma_semaphore, #tpu.memory_space<semaphore_mem>>)
      } else {
      }
    }
    %scan3A_74 = arith.constant 4 : i32
    %dma_wait3A_75 = arith.constant 0 : i32
    %dma_wait3A_76 = arith.constant 0 : i32
    %dma_wait3A_77 = arith.constant 0 : i32
    %dma_wait3A_78 = tpu.memref_slice %arg4[%dma_wait3A_75, %dma_wait3A_76, %dma_wait3A_77] : memref<64x1024x128xf32, #tpu.memory_space<hbm>> -> memref<1x1024x128xf32, #tpu.memory_space<hbm>>
    %dma_wait3A_79 = tpu.memref_squeeze %dma_wait3A_78 : memref<1x1024x128xf32, #tpu.memory_space<hbm>> -> memref<1024x128xf32, #tpu.memory_space<hbm>>
    %dma_wait3A_80 = arith.constant 0 : i32
    %dma_wait3A_81 = arith.constant 0 : i32
    %dma_wait3A_82 = tpu.memref_slice %dma_wait3A_79[%dma_wait3A_80, %dma_wait3A_81] : memref<1024x128xf32, #tpu.memory_space<hbm>> -> memref<128x128xf32, #tpu.memory_space<hbm>>
    %dma_wait3A_83 = arith.constant 0 : i32
    %dma_wait3A_84 = arith.constant 0 : i32
    %dma_wait3A_85 = tpu.memref_slice %arg4[%dma_wait3A_75, %dma_wait3A_83, %dma_wait3A_84] : memref<64x1024x128xf32, #tpu.memory_space<hbm>> -> memref<1x1024x128xf32, #tpu.memory_space<hbm>>
    %dma_wait3A_86 = tpu.memref_squeeze %dma_wait3A_85 : memref<1x1024x128xf32, #tpu.memory_space<hbm>> -> memref<1024x128xf32, #tpu.memory_space<hbm>>
    %dma_wait3A_87 = arith.constant 0 : i32
    %dma_wait3A_88 = arith.constant 0 : i32
    %dma_wait3A_89 = tpu.memref_slice %dma_wait3A_86[%dma_wait3A_87, %dma_wait3A_88] : memref<1024x128xf32, #tpu.memory_space<hbm>> -> memref<128x128xf32, #tpu.memory_space<hbm>>
    tpu.wait_dma2 semaphore(%arg14 : memref<!tpu.dma_semaphore, #tpu.memory_space<semaphore_mem>>) src(%arg6 : memref<128x128xf32, #tpu.memory_space<vmem>>) dst(%dma_wait3A_89 : memref<128x128xf32, #tpu.memory_space<hbm>>)
    %dma_wait3A_90 = arith.constant 0 : i32
    %dma_wait3A_91 = arith.constant 0 : i32
    %dma_wait3A_92 = arith.constant 0 : i32
    %dma_wait3A_93 = tpu.memref_slice %arg4[%dma_wait3A_90, %dma_wait3A_91, %dma_wait3A_92] : memref<64x1024x128xf32, #tpu.memory_space<hbm>> -> memref<1x1024x128xf32, #tpu.memory_space<hbm>>
    %dma_wait3A_94 = tpu.memref_squeeze %dma_wait3A_93 : memref<1x1024x128xf32, #tpu.memory_space<hbm>> -> memref<1024x128xf32, #tpu.memory_space<hbm>>
    %dma_wait3A_95 = arith.constant 0 : i32
    %dma_wait3A_96 = arith.constant 0 : i32
    %dma_wait3A_97 = tpu.memref_slice %dma_wait3A_94[%dma_wait3A_95, %dma_wait3A_96] : memref<1024x128xf32, #tpu.memory_space<hbm>> -> memref<128x128xf32, #tpu.memory_space<hbm>>
    %dma_wait3A_98 = arith.constant 0 : i32
    %dma_wait3A_99 = arith.constant 0 : i32
    %dma_wait3A_100 = tpu.memref_slice %arg4[%dma_wait3A_90, %dma_wait3A_98, %dma_wait3A_99] : memref<64x1024x128xf32, #tpu.memory_space<hbm>> -> memref<1x1024x128xf32, #tpu.memory_space<hbm>>
    %dma_wait3A_101 = tpu.memref_squeeze %dma_wait3A_100 : memref<1x1024x128xf32, #tpu.memory_space<hbm>> -> memref<1024x128xf32, #tpu.memory_space<hbm>>
    %dma_wait3A_102 = arith.constant 0 : i32
    %dma_wait3A_103 = arith.constant 0 : i32
    %dma_wait3A_104 = tpu.memref_slice %dma_wait3A_101[%dma_wait3A_102, %dma_wait3A_103] : memref<1024x128xf32, #tpu.memory_space<hbm>> -> memref<128x128xf32, #tpu.memory_space<hbm>>
    tpu.wait_dma2 semaphore(%arg15 : memref<!tpu.dma_semaphore, #tpu.memory_space<semaphore_mem>>) src(%arg7 : memref<128x128xf32, #tpu.memory_space<vmem>>) dst(%dma_wait3A_104 : memref<128x128xf32, #tpu.memory_space<hbm>>)
    %dma_wait3A_105 = arith.constant 0 : i32
    %dma_wait3A_106 = arith.constant 0 : i32
    %dma_wait3A_107 = arith.constant 0 : i32
    %dma_wait3A_108 = tpu.memref_slice %arg4[%dma_wait3A_105, %dma_wait3A_106, %dma_wait3A_107] : memref<64x1024x128xf32, #tpu.memory_space<hbm>> -> memref<1x1024x128xf32, #tpu.memory_space<hbm>>
    %dma_wait3A_109 = tpu.memref_squeeze %dma_wait3A_108 : memref<1x1024x128xf32, #tpu.memory_space<hbm>> -> memref<1024x128xf32, #tpu.memory_space<hbm>>
    %dma_wait3A_110 = arith.constant 0 : i32
    %dma_wait3A_111 = arith.constant 0 : i32
    %dma_wait3A_112 = tpu.memref_slice %dma_wait3A_109[%dma_wait3A_110, %dma_wait3A_111] : memref<1024x128xf32, #tpu.memory_space<hbm>> -> memref<128x128xf32, #tpu.memory_space<hbm>>
    %dma_wait3A_113 = arith.constant 0 : i32
    %dma_wait3A_114 = arith.constant 0 : i32
    %dma_wait3A_115 = tpu.memref_slice %arg4[%dma_wait3A_105, %dma_wait3A_113, %dma_wait3A_114] : memref<64x1024x128xf32, #tpu.memory_space<hbm>> -> memref<1x1024x128xf32, #tpu.memory_space<hbm>>
    %dma_wait3A_116 = tpu.memref_squeeze %dma_wait3A_115 : memref<1x1024x128xf32, #tpu.memory_space<hbm>> -> memref<1024x128xf32, #tpu.memory_space<hbm>>
    %dma_wait3A_117 = arith.constant 0 : i32
    %dma_wait3A_118 = arith.constant 0 : i32
    %dma_wait3A_119 = tpu.memref_slice %dma_wait3A_116[%dma_wait3A_117, %dma_wait3A_118] : memref<1024x128xf32, #tpu.memory_space<hbm>> -> memref<128x128xf32, #tpu.memory_space<hbm>>
    tpu.wait_dma2 semaphore(%arg16 : memref<!tpu.dma_semaphore, #tpu.memory_space<semaphore_mem>>) src(%arg8 : memref<128x128xf32, #tpu.memory_space<vmem>>) dst(%dma_wait3A_119 : memref<128x128xf32, #tpu.memory_space<hbm>>)
    %dma_wait3A_120 = arith.constant 0 : i32
    %dma_wait3A_121 = arith.constant 0 : i32
    %dma_wait3A_122 = arith.constant 0 : i32
    %dma_wait3A_123 = tpu.memref_slice %arg4[%dma_wait3A_120, %dma_wait3A_121, %dma_wait3A_122] : memref<64x1024x128xf32, #tpu.memory_space<hbm>> -> memref<1x1024x128xf32, #tpu.memory_space<hbm>>
    %dma_wait3A_124 = tpu.memref_squeeze %dma_wait3A_123 : memref<1x1024x128xf32, #tpu.memory_space<hbm>> -> memref<1024x128xf32, #tpu.memory_space<hbm>>
    %dma_wait3A_125 = arith.constant 0 : i32
    %dma_wait3A_126 = arith.constant 0 : i32
    %dma_wait3A_127 = tpu.memref_slice %dma_wait3A_124[%dma_wait3A_125, %dma_wait3A_126] : memref<1024x128xf32, #tpu.memory_space<hbm>> -> memref<128x128xf32, #tpu.memory_space<hbm>>
    %dma_wait3A_128 = arith.constant 0 : i32
    %dma_wait3A_129 = arith.constant 0 : i32
    %dma_wait3A_130 = tpu.memref_slice %arg4[%dma_wait3A_120, %dma_wait3A_128, %dma_wait3A_129] : memref<64x1024x128xf32, #tpu.memory_space<hbm>> -> memref<1x1024x128xf32, #tpu.memory_space<hbm>>
    %dma_wait3A_131 = tpu.memref_squeeze %dma_wait3A_130 : memref<1x1024x128xf32, #tpu.memory_space<hbm>> -> memref<1024x128xf32, #tpu.memory_space<hbm>>
    %dma_wait3A_132 = arith.constant 0 : i32
    %dma_wait3A_133 = arith.constant 0 : i32
    %dma_wait3A_134 = tpu.memref_slice %dma_wait3A_131[%dma_wait3A_132, %dma_wait3A_133] : memref<1024x128xf32, #tpu.memory_space<hbm>> -> memref<128x128xf32, #tpu.memory_space<hbm>>
    tpu.wait_dma2 semaphore(%arg17 : memref<!tpu.dma_semaphore, #tpu.memory_space<semaphore_mem>>) src(%arg9 : memref<128x128xf32, #tpu.memory_space<vmem>>) dst(%dma_wait3A_134 : memref<128x128xf32, #tpu.memory_space<hbm>>)
    return
  }
}

</mosaic_0001>

<sc_bundles>
// kernel: _gather.3.cloned.1.call-start
scs
__scs_entry_jumppad:
0x0: {  	(pc) =	sbr.rel $0x88, $3  }
0x1: {  	(tag) =	ssettag $0x0;
	lr =	simm.s32 $0x1  }
0x2: {  	[smem:$0x3F9F] =	sst lr;
	_ =	strace $0xD0000000  }
0x3: {  	_ = 	snop  }
0x4: {  	_ = 	snop  }
0x5: {  	_ = 	snop  }
0x6: {  	_ = 	snop  }
0x7: {  	_ = 	snop  }
__scs_overlays_trampoline_lowered:
0x8: {  	[smem:$0x3FAE] =	sst s0  }
0x9: {  	[smem:$0x3FAF] =	sst s1  }
0xa: {  	[smem:$0x3FB0] =	sst s2  }
0xb: {  	[smem:$0x3FB1] =	sst s3  }
0xc: {  	[smem:$0x3FB2] =	sst s4  }
0xd: {  	[smem:$0x3FB3] =	sst s5  }
0xe: {  	[smem:$0x3FB4] =	sst s6  }
0xf: {  	[smem:$0x3FB5] =	sst s7  }
0x10: {  	[smem:$0x3FB6] =	sst s8  }
0x11: {  	[smem:$0x3FB7] =	sst s9;
	s0 =	simm.s32 @!p0 $0x0  }
0x12: {  	s1 =	sld [smem:$0x3F9D];
	s0 =	simm.s32 @p0 $0x1  }
0x13: {  	[smem:$0x3FB8] =	sst s0;
	s0 =	simm.s32 @!p1 $0x0  }
0x14: {  	s2 =	sld [smem:$0x3F9C];
	s0 =	simm.s32 @p1 $0x1  }
0x15: {  	[smem:$0x3FB9] =	sst s0;
	s0 =	simm.s32 @!p2 $0x0  }
0x16: {  	s3 =	sld [smem:$0x3FDB];
	s0 =	simm.s32 @p2 $0x1  }
0x17: {  	s4 =	simm.s32 $0x1BF5;
	[smem:$0x3FBB] =	sst s0  }
0x18: {  	s0 =	sld [smem:$0x3F9E];
	_ =	swait.ge [sflag:s4], $0x0  }
0x19: {  	s7 =	sld [smem:$0x3F9F]  }
0x1a: {  	s8 =	sadd.s32 $0xFFFFE003, lr  }
0x1b: {  	s9 =	sadd.s32 $0xFFFFFEF7, lr;
	s5 =	simm.s32 $0xFFFFFFFF;
	p2 =	slt.u32 s8, $0xFFFFF086  }
0x1c: {  	p1 =	slt.u32 s9, $0xF7A;
	s5 =	simm.s32 @!p2 $0x0  }
0x1d: {  	s5 =	simm.s32 @p1 $0x1;
	p0 =	seq.s32 s7, s2  }
0x1e: {  	s7 =	smul.u32 @!p0 $0xF7A, s2;
	p2 =	seq.s32 @!p0 s5, $0x0  }
0x1f: {  	s9 =	smul.u32 $0xF7A, s1;
	s8 =	simm.s32 @!p0 $0x1BF5;
	p2 =	por !p2, p0  }
0x20: {  	[sflag:s8] =	ssyncset.s32 @!p0 $0xFFFFF086;
	s6 =	sadd.s32 @!p0 s3, s7;
	s7 =	simm.s32 @!p0 $0x108  }
0x21: {  	s3 =	sadd.s32 s3, s9;
	s6 =	sadd.s32 @!p0 $0x88, s6;
	s7 =	simm.s32 @p2 $0x1082  }
0x22: {  	[simem:s7], [sflag:s8] =	dma.local @!p0 [hbm:s6], $0xF7A  }
0x23: {  	s9 =	sor.u32 $0xD0000000, s2;
	s6 =	simm.s32 $0x108;
	_ =	swait.ge @!p0 [sflag:s8], $0x0  }
0x24: {  	s3 =	sadd.s32 $0x88, s3;
	s6 =	simm.s32 @!p1 $0x1082;
	[sflag:s4] =	ssyncset.s32 $0xFFFFF086  }
0x25: {  	[simem:s6], [sflag:s4] =	dma.local [hbm:s3], $0xF7A  }
0x26: {  	[smem:$0x3F9F] =	sst s1;
	(tag) =	ssettag s2;
	_ =	strace s9  }
0x27: {  	s1 =	sld [smem:$0x3FAF]  }
0x28: {  	s2 =	sld [smem:$0x3FB0]  }
0x29: {  	s4 =	sld [smem:$0x3FB2]  }
0x2a: {  	p0 =	seq.s32 s5, $0x0;
	s5 =	sld [smem:$0x3FB3]  }
0x2b: {  	s6 =	sld [smem:$0x3FB4]  }
0x2c: {  	s7 =	sld [smem:$0x3FB5]  }
0x2d: {  	s3 =	simm.s32 $0x108;
	s8 =	sld [smem:$0x3FB6]  }
0x2e: {  	s3 =	simm.s32 @!p0 $0x1082;
	s9 =	sld [smem:$0x3FB7]  }
0x2f: {  	lr =	sadd.s32 s0, s3;
	s0 =	sld [smem:$0x3FAE]  }
0x30: {  	s3 =	sld [smem:$0x3FB1]  }
0x31: {  	[smem:$0x3FBA] =	sst s10  }
0x32: {  	s10 =	sld [smem:$0x3FB8];
	_ =	sdelay $0x3  }
0x33: {  	p0 =	seq.s32 s10, $0x1;
	s10 =	sld [smem:$0x3FBA];
	_ =	sdelay $0x3  }
0x34: {  	[smem:$0x3FBA] =	sst s10  }
0x35: {  	s10 =	sld [smem:$0x3FB9];
	_ =	sdelay $0x3  }
0x36: {  	p1 =	seq.s32 s10, $0x1;
	s10 =	sld [smem:$0x3FBA];
	_ =	sdelay $0x3  }
0x37: {  	[smem:$0x3FBA] =	sst s10  }
0x38: {  	s10 =	sld [smem:$0x3FBB]  }
0x39: {  	_ = 	snop;
	(pc) =	sbr.ind lr, $3  }
0x3a: {  	_ = 	snop  }
0x3b: {  	_ = 	snop  }
0x3c: {  	p2 =	seq.s32 s10, $0x1;
	s10 =	sld [smem:$0x3FBA]  }
0x3d: {  	_ =	shalt  }
0x3e: {  	_ =	shalt  }
0x3f: {  	_ =	shalt  }
0x40: {  	_ =	shalt  }
0x41: {  	_ =	shalt  }
0x42: {  	_ =	shalt  }
0x43: {  	_ =	shalt  }
0x44: {  	_ =	shalt  }
0x45: {  	_ =	shalt  }
0x46: {  	_ =	shalt  }
0x47: {  	_ =	shalt  }
0x48: {  	_ =	shalt  }
0x49: {  	_ =	shalt  }
0x4a: {  	_ =	shalt  }
0x4b: {  	_ =	shalt  }
0x4c: {  	_ =	shalt  }
0x4d: {  	_ =	shalt  }
0x4e: {  	_ =	shalt  }
0x4f: {  	_ =	shalt  }
0x50: {  	_ =	shalt  }
0x51: {  	_ =	shalt  }
0x52: {  	_ =	shalt  }
0x53: {  	_ =	shalt  }
0x54: {  	_ =	shalt  }
0x55: {  	_ =	shalt  }
0x56: {  	_ =	shalt  }
0x57: {  	_ =	shalt  }
0x58: {  	_ =	shalt  }
0x59: {  	_ =	shalt  }
0x5a: {  	_ =	shalt  }
0x5b: {  	_ =	shalt  }
0x5c: {  	_ =	shalt  }
0x5d: {  	_ =	shalt  }
0x5e: {  	_ =	shalt  }
0x5f: {  	_ =	shalt  }
0x60: {  	_ =	shalt  }
0x61: {  	_ =	shalt  }
0x62: {  	_ =	shalt  }
0x63: {  	_ =	shalt  }
0x64: {  	_ =	shalt  }
0x65: {  	_ =	shalt  }
0x66: {  	_ =	shalt  }
0x67: {  	_ =	shalt  }
0x68: {  	_ =	shalt  }
0x69: {  	_ =	shalt  }
0x6a: {  	_ =	shalt  }
0x6b: {  	_ =	shalt  }
0x6c: {  	_ =	shalt  }
0x6d: {  	_ =	shalt  }
0x6e: {  	_ =	shalt  }
0x6f: {  	_ =	shalt  }
0x70: {  	_ =	shalt  }
0x71: {  	_ =	shalt  }
0x72: {  	_ =	shalt  }
0x73: {  	_ =	shalt  }
0x74: {  	_ =	shalt  }
0x75: {  	_ =	shalt  }
0x76: {  	_ =	shalt  }
0x77: {  	_ =	shalt  }
0x78: {  	_ =	shalt  }
0x79: {  	_ =	shalt  }
0x7a: {  	_ =	shalt  }
0x7b: {  	_ =	shalt  }
0x7c: {  	_ =	shalt  }
0x7d: {  	_ =	shalt  }
0x7e: {  	_ =	shalt  }
0x7f: {  	_ =	shalt  }
0x80: {  	_ =	shalt  }
0x81: {  	_ =	shalt  }
0x82: {  	_ =	shalt  }
0x83: {  	_ =	shalt  }
0x84: {  	_ =	shalt  }
0x85: {  	_ =	shalt  }
0x86: {  	_ =	shalt  }
0x87: {  	_ =	shalt  }
.Lfunc_end0:
.L_simem_size_0:
called_computation_lowered:
.L_overlay_start_0:
0x88: {  	s2 =	sld [smem:$0x3FD9]  }
0x89: {  	s3 =	sld [smem:$0x3FFE];
	_ =	sdelay $0x1  }
0x8a: {  	s1 =	srdreg.scid  }
0x8b: {  	s0 =	sand.u32 $0x1, s1  }
0x8c: {  	s18 =	sshll.u32 s0, $0xA;
	s2 =	sadd.s32 s3, s2  }
0x8d: {  	s2 =	sadd.s32 s2, s18  }
0x8e: {  	[smem:$0x3FC6] =	sst s2  }
0x8f: {  	_ = 	snop  }
0x90: {  	s2 =	sld [smem:$0x3FC9]  }
0x91: {  	s19 =	sld [smem:$0x3FC8]  }
0x92: {  	s4 =	sld [smem:$0x3FD0];
	(tm) =	ssettm $0x1  }
0x93: {  	s5 =	sld [smem:$0x3FFB];
	_ =	sdelay $0x3  }
0x94: {  	_ =	strace s5  }
0x95: {  	s5 =	sld [smem:$0x3FFC];
	_ =	sdelay $0x3  }
0x96: {  	_ =	strace s5  }
0x97: {  	s5 =	sld [smem:$0x3FFD];
	_ =	sdelay $0x3  }
0x98: {  	_ =	strace s5  }
0x99: {  	_ =	strace $0x8FFFFFFF  }
0x9a: {  	s20 =	sld [smem:$0x3FDB];
	_ =	sdelay $0x1  }
0x9b: {  	s6 =	simm.s32 $_scs_section_size  }
0x9c: {  	s7 =	simm.s32 $_size__tile_overlayer_lowered;
	s8 =	simm.s32 $_tile_overlayer_lowered  }
0x9d: {  	s23 =	simm.s32 $0x1BFF;
	s22 =	sshll.u32 s8, $0x1;
	s5 =	sadd.s32 s6, s20  }
0x9e: {  	s9 =	simm.s32 $0x0;
	s21 =	sshll.u32 s7, $0x1;
	s7 =	sadd.s32 s22, s5  }
0x9f: {  	[timem:s9], [sflag:s23] =	dma.local [hbm:s7], s21  }
0xa0: {  	_ =	swait.ge [sflag:s23], s21  }
0xa1: {  	s6 =	ssub.s32 $0x0, s21;
	[sflag:s23] =	ssyncset.done $0x0  }
0xa2: {  	[sflag:s23] =	ssyncadd.s32 s6;
	_ =	sdelay $0x1  }
0xa3: {  	s24 =	simm.s32 $0x1B8B  }
0xa4: {  	_ =	swait.ge [sflag:s24], $0x1  }
0xa5: {  	[sflag:s24] =	ssyncset.done $0x0  }
0xa6: {  	s25 =	simm.s32 $0x1B8E;
	[sflag:s24] =	ssyncadd.s32 $0xFFFFFFFF  }
0xa7: {  	s26 =	simm.s32 $execute0_lowered;
	[smem:$0x3FD2] =	sst s25  }
0xa8: {  	s6 =	sshll.u32 s26, $0x1;
	_ =	strace $0x80000046;
	[dreg:$0x1] =	wrdreg $0xFFFFFFFF  }
0xa9: {  	s28 =	simm.s32 $_size_execute0_lowered;
	s5 =	sadd.s32 s5, s6;
	[dreg:$0x0] =	wrdreg $0x0  }
0xaa: {  	s6 =	sshll.u32 s28, $0x1;
	[dreg:$0x2] =	wrdreg s5  }
0xab: {  	[dreg:$0x3] =	wrdreg s6  }
0xac: {  	[dreg:$0x4] =	wrdreg $0xC0  }
0xad: {  	_ =	task [dreg:s9], $0x5FFFF  }
0xae: {  	[dreg:$0x1] =	wrdreg $0xFFFFFFFF  }
0xaf: {  	[dreg:$0x0] =	wrdreg $0x60  }
0xb0: {  	[dreg:$0x2] =	wrdreg s2  }
0xb1: {  	[dreg:$0x3] =	wrdreg s19  }
0xb2: {  	[dreg:$0x4] =	wrdreg s4  }
0xb3: {  	[dreg:$0x5] =	wrdreg $0x9  }
0xb4: {  	_ =	task.clear_ibuf [dreg:s9], $0x6FFFF;
	_ =	strace $0x90000046  }
0xb5: {  	s29 =	simm.s32 $0x9;
	_ =	strace $0x80000048  }
0xb6: {  	_ =	swait.ge [sflag:s29], $0x1  }
0xb7: {  	[sflag:s29] =	ssyncadd.s32 $0xFFFFFFFF  }
0xb8: {  	_ =	strace $0x90000048  }
0xb9: {  	_ =	sfence  }
0xba: {  	s30 =	sld [smem:$0x0];
	_ =	sdelay $0x2  }
0xbb: {  	s31 =	sshll.u32 s1, $0xD;
	s1 =	sshrl.u32 s1, $0x2  }
0xbc: {  	s3 =	sand.u32 $0x4000, s31;
	s1 =	sadd.s32 s1, s30  }
0xbd: {  	s0 =	sor.u32 s3, s0;
	s1 =	sshll.u32 s1, $0x11  }
0xbe: {  	s0 =	sor.u32 s1, s0  }
0xbf: {  	s0 =	sadd.s32 $0x8F2B, s0  }
0xc0: {  	[sflag:s0] =	ssyncadd.remote.s32 $0x1  }
0xc1: {  	_ =	sfence.sel $0xFFFF  }
0xc2: {  	[dreg:$0x0] =	wrdreg $0xFFFFFFFF;
	(pc) =	sbr.abs _section_cstart, $3  }
0xc3: {  	[dreg:$0x1] =	wrdreg $0xFFFFFFFF  }
0xc4: {  	_ =	task.clear_ibuf [dreg:s9], $0x2FFFF;
	_ =	strace $0x9FFFFFFF  }
0xc5: {  	(tm) =	ssettm $0x7FFFFFFF  }
tec
execute0_lowered:
.L_overlay_start_1:
0x0: {  	(tag) =	ssettag $0x1  }
0x1: {  	s0 =	srdreg.scid  }
0x2: {  	s5 =	stileid.u32;
	s1 =	rddreg [dreg:$0x0];
	s0 =	sand.u32 $0x1, s0  }
0x3: {  	s6 =	rddreg [dreg:$0x1];
	s2 =	sshll.u32 s5, $0x2;
	s3 =	sshll.u32 s0, $0x1  }
0x4: {  	s4 =	rddreg [dreg:$0x2];
	s0 =	ssub.s32 $0x2, s0;
	s3 =	sor.u32 s3, s2  }
0x5: {  	s10 =	sshll.u32 s5, $0x9;
	s11 =	sshrl.u32 s0, $0x1;
	s7 =	sshll.u32 s3, $0x4  }
0x6: {  	s5 =	simm.s32 $0x0;
	s0 =	ssub.s32 s0, s11;
	s2 =	sor.u32 s10, s7  }
0x7: {  	[smem:$0x7FF] =	sst s5;
	s0 =	smax.u32 s0, $0x1;
	s2 =	sand.u32 $0x1C60, s2  }
0x8: {  	_ =	strace $0x80000047;
	[dreg:$0x6] =	wrdreg s0;
	s6 =	sadd.s32 s6, s2  }
0x9: {  	s2 =	sadd.s32 $0x10, s6;
	[dreg:$0x4] =	wrdreg s6  }
0xa: {  	s13 =	sadd.s32 $0x80, s6;
	[dreg:$0x5] =	wrdreg s2  }
0xb: {  	s14 =	sadd.s32 $0x100, s6;
	[dreg:$0x7] =	wrdreg s13  }
0xc: {  	s15 =	sadd.s32 $0x180, s6;
	[dreg:$0x8] =	wrdreg s14  }
0xd: {  	s31 =	simm.s32 $0x80;
	s16 =	sadd.s32 $0x200, s6;
	[dreg:$0x9] =	wrdreg s15  }
0xe: {  	s28 =	simm.s32 $0x1;
	s17 =	sadd.s32 $0x280, s6;
	[dreg:$0xa] =	wrdreg s16  }
0xf: {  	s29 =	simm.s32 $0x8800;
	s18 =	sadd.s32 $0x300, s6;
	[dreg:$0xb] =	wrdreg s17  }
0x10: {  	s30 =	simm.s32 $0x2;
	s19 =	sadd.s32 $0x380, s6;
	[dreg:$0xc] =	wrdreg s18  }
0x11: {  	s9 =	simm.s32 $0x3;
	s20 =	sadd.s32 $0x90, s6;
	[dreg:$0xd] =	wrdreg s19  }
0x12: {  	s12 =	sshll.u32 s3, $0x10;
	s21 =	sadd.s32 $0x110, s6;
	[dreg:$0xe] =	wrdreg s20  }
0x13: {  	s11 =	simm.s32 $0x5;
	s22 =	sadd.s32 $0x190, s6;
	[dreg:$0xf] =	wrdreg s21  }
0x14: {  	s8 =	sadd.s32 s1, s12;
	s23 =	sadd.s32 $0x210, s6;
	[dreg:$0x10] =	wrdreg s22  }
0x15: {  	s7 =	simm.s32 $0xC800;
	s24 =	sadd.s32 $0x290, s6;
	[dreg:$0x11] =	wrdreg s23  }
.Ltmp0:
0x16: {  	s25 =	sadd.s32 $0x310, s6;
	[dreg:$0x12] =	wrdreg s24;
	(pc) =	sbr.rel .LBB2_1-.Ltmp0, $4  }
0x17: {  	s10 =	simm.s32 $0x4;
	s26 =	sadd.s32 $0x390, s6;
	[dreg:$0x13] =	wrdreg s25  }
0x18: {  	s12 =	simm.s32 $0x6;
	s0 =	simm.s32 $0x800;
	[dreg:$0x14] =	wrdreg s26  }
0x19: {  	s2 =	simm.s32 $0x9;
	s25 =	simm.s32 $0x4800;
	s26 =	simm.s32 $0xA  }
0x1a: {  	s13 =	simm.s32 $0x7;
	s14 =	simm.s32 $0x8;
	s15 =	simm.s32 $0x0  }
.LBB2_4:
0x1b: {  	_ =	swait.ge [sflag:s10], $0x4000  }
0x1c: {  	[sflag:s10] =	ssyncset.done $0x0  }
0x1d: {  	s6 =	sadd.s32 $0x3800, s20;
	[sflag:s10] =	ssyncadd.s32 $0xFFFFC000  }
0x1e: {  	[hbm4b:s6+s5] =	stream.linear.scatter [tilespmem:s7], [sflag:$0x8], $0x4000, $0x38;
	[tilespmem:$0x10800] =	vst v63  }
0x1f: {  	_ =	swait.ge [sflag:s11], $0x4000  }
0x20: {  	[sflag:s11] =	ssyncset.done $0x0  }
0x21: {  	[sflag:s11] =	ssyncadd.s32 $0xFFFFC000  }
0x22: {  	_ =	swait.ge [sflag:s12], $0x4000  }
0x23: {  	[sflag:s12] =	ssyncset.done $0x0  }
0x24: {  	[sflag:s12] =	ssyncadd.s32 $0xFFFFC000  }
0x25: {  	_ =	swait.ge [sflag:s13], $0x4000  }
0x26: {  	[sflag:s13] =	ssyncset.done $0x0  }
0x27: {  	[sflag:s13] =	ssyncadd.s32 $0xFFFFC000  }
0x28: {  	_ =	swait.ge [sflag:s14], $0x4000  }
0x29: {  	s15 =	sadd.s32 $0x1, s15;
	s24 =	rddreg [dreg:$0x6]  }
0x2a: {  	p0 =	sne.s32 s15, s24  }
.Ltmp1:
0x2b: {  	_ = 	snop;
	(pc) =	sbr.rel @!p0 .LBB2_5-.Ltmp1, $3  }
0x2c: {  	_ =	sdelay $0x1  }
0x2d: {  	[sflag:s14] =	ssyncset.done $0x0  }
0x2e: {  	[sflag:s14] =	ssyncadd.s32 $0xFFFFC000  }
.LBB2_1:
0x2f: {  	s6 =	rddreg [dreg:$0x4]  }
0x30: {  	[tilespmem:s5], [sflag:$0x9] =	stream.linear.gather [hbm4b:s6+s5], $0x80, $0x38;
	[tilespmem:$0x10800] =	vst v63  }
0x31: {  	s19 =	rddreg [dreg:$0x7];
	s17 =	simm.s32 $0x100  }
0x32: {  	[tilespmem:s17], [sflag:$0x9] =	stream.linear.gather [hbm4b:s19+s5], $0x80, $0x38;
	[tilespmem:$0x10800] =	vst v63  }
0x33: {  	s20 =	rddreg [dreg:$0x8];
	s16 =	simm.s32 $0x200  }
0x34: {  	[tilespmem:s16], [sflag:$0x9] =	stream.linear.gather [hbm4b:s20+s5], $0x80, $0x38;
	[tilespmem:$0x10800] =	vst v63  }
0x35: {  	s21 =	rddreg [dreg:$0x9];
	s22 =	simm.s32 $0x300  }
0x36: {  	[tilespmem:s22], [sflag:$0x9] =	stream.linear.gather [hbm4b:s21+s5], $0x80, $0x38;
	[tilespmem:$0x10800] =	vst v63  }
0x37: {  	s23 =	rddreg [dreg:$0xa];
	s24 =	simm.s32 $0x400  }
0x38: {  	[tilespmem:s24], [sflag:$0x9] =	stream.linear.gather [hbm4b:s23+s5], $0x80, $0x38;
	[tilespmem:$0x10800] =	vst v63  }
0x39: {  	s18 =	rddreg [dreg:$0xb];
	s16 =	simm.s32 $0x500  }
0x3a: {  	[tilespmem:s16], [sflag:$0x9] =	stream.linear.gather [hbm4b:s18+s5], $0x80, $0x38;
	[tilespmem:$0x10800] =	vst v63  }
0x3b: {  	s19 =	rddreg [dreg:$0xc];
	s18 =	simm.s32 $0x600  }
0x3c: {  	[tilespmem:s18], [sflag:$0x9] =	stream.linear.gather [hbm4b:s19+s5], $0x80, $0x38;
	[tilespmem:$0x10800] =	vst v63  }
0x3d: {  	s20 =	rddreg [dreg:$0xd];
	s21 =	simm.s32 $0x700  }
0x3e: {  	[tilespmem:s21], [sflag:$0x9] =	stream.linear.gather [hbm4b:s20+s5], $0x80, $0x38;
	[tilespmem:$0x10800] =	vst v63  }
0x3f: {  	s22 =	rddreg [dreg:$0x5]  }
0x40: {  	[tilespmem:s31], [sflag:$0xA] =	stream.linear.gather [hbm4b:s22+s5], $0x80, $0x38;
	[tilespmem:$0x10800] =	vst v63  }
0x41: {  	s23 =	rddreg [dreg:$0xe];
	s24 =	simm.s32 $0x180  }
0x42: {  	[tilespmem:s24], [sflag:$0xA] =	stream.linear.gather [hbm4b:s23+s5], $0x80, $0x38;
	[tilespmem:$0x10800] =	vst v63  }
0x43: {  	s19 =	rddreg [dreg:$0xf];
	s20 =	simm.s32 $0x280  }
0x44: {  	[tilespmem:s20], [sflag:$0xA] =	stream.linear.gather [hbm4b:s19+s5], $0x80, $0x38;
	[tilespmem:$0x10800] =	vst v63  }
0x45: {  	s21 =	rddreg [dreg:$0x10];
	s22 =	simm.s32 $0x380  }
0x46: {  	[tilespmem:s22], [sflag:$0xA] =	stream.linear.gather [hbm4b:s21+s5], $0x80, $0x38;
	[tilespmem:$0x10800] =	vst v63  }
0x47: {  	s23 =	rddreg [dreg:$0x11];
	s24 =	simm.s32 $0x480  }
0x48: {  	[tilespmem:s24], [sflag:$0xA] =	stream.linear.gather [hbm4b:s23+s5], $0x80, $0x38;
	[tilespmem:$0x10800] =	vst v63  }
0x49: {  	s19 =	rddreg [dreg:$0x12];
	s20 =	simm.s32 $0x580  }
0x4a: {  	[tilespmem:s20], [sflag:$0xA] =	stream.linear.gather [hbm4b:s19+s5], $0x80, $0x38;
	[tilespmem:$0x10800] =	vst v63  }
0x4b: {  	s21 =	rddreg [dreg:$0x13];
	s22 =	simm.s32 $0x680  }
0x4c: {  	[tilespmem:s22], [sflag:$0xA] =	stream.linear.gather [hbm4b:s21+s5], $0x80, $0x38;
	[tilespmem:$0x10800] =	vst v63  }
0x4d: {  	s23 =	rddreg [dreg:$0x14];
	s24 =	simm.s32 $0x780  }
0x4e: {  	[tilespmem:s24], [sflag:$0xA] =	stream.linear.gather [hbm4b:s23+s5], $0x80, $0x38;
	[tilespmem:$0x10800] =	vst v63  }
0x4f: {  	_ =	swait.ge [sflag:s2], $0x400  }
0x50: {  	[sflag:s2] =	ssyncset.done $0x0  }
0x51: {  	[sflag:s2] =	ssyncadd.s32 $0xFFFFFC00  }
0x52: {  	[tilespmem:s0], [sflag:$0x1] =	stream.indirect.gather [hbm4b:s8+s31], $0x80, s5, s31, $0xb8;
	[tilespmem:$0x10800] =	vst v63  }
0x53: {  	_ = 	snop  }
0x54: {  	[tilespmem:s25], [sflag:$0x2] =	stream.indirect.gather [hbm4b:s8+s31], $0x80, s17, s31, $0xb8;
	[tilespmem:$0x10800] =	vst v63  }
0x55: {  	_ =	swait.ge [sflag:s26], $0x400  }
0x56: {  	s18 =	simm.s32 $0x5;
	[sflag:s26] =	ssyncset.done $0x0  }
0x57: {  	s19 =	simm.s32 $0x0;
	s17 =	simm.s32 $0x1800;
	[sflag:s26] =	ssyncadd.s32 $0xFFFFFC00  }
.LBB2_2:
0x58: {  	s24 =	sshrl.u32 s19, $0x1  }
0x59: {  	_ =	swait.ge [sflag:s28], $0x4000;
	s22 =	sadd.s32 $0xFFFFE800, s17;
	s21 =	sor.u32 s3, s24  }
0x5a: {  	p0 =	seq.s32 s16, $0x500;
	s6 =	sadd.s32 $0xFFFFFD00, s16;
	s20 =	sshll.u32 s21, $0xE  }
0x5b: {  	[sflag:s28] =	ssyncset.done $0x0;
	s22 =	sand.u32 $0x2000, s22;
	s20 =	sadd.s32 s4, s20  }
0x5c: {  	s23 =	simm.s32 @!p0 $0x7;
	[sflag:s28] =	ssyncadd.s32 $0xFFFFC000;
	s22 =	sadd.s32 s22, s20  }
0x5d: {  	[hbm4b:s22+s5] =	stream.linear.scatter [tilespmem:s0], [sflag:$0x5], $0x4000, $0x38;
	[tilespmem:$0x10800] =	vst v63  }
0x5e: {  	s24 =	sshll.u32 s24, $0x9;
	s6 =	sand.u32 $0x600, s6;
	_ =	swait.ge @!p0 [sflag:s23], $0x4000  }
0x5f: {  	s24 =	sshrl.u32 s24, $0x2;
	s21 =	sshll.u32 s21, $0x10;
	[sflag:s23] =	ssyncset.done @!p0 $0x0  }
0x60: {  	s6 =	sadd.s32 s24, s6;
	s21 =	sadd.s32 s1, s21;
	[sflag:s23] =	ssyncadd.s32 @!p0 $0xFFFFC000  }
0x61: {  	[tilespmem:s29], [sflag:$0x3] =	stream.indirect.gather [hbm4b:s21+s31], $0x80, s6, s31, $0xb8;
	[tilespmem:$0x10800] =	vst v63  }
0x62: {  	_ =	swait.ge [sflag:s30], $0x4000  }
0x63: {  	[sflag:s30] =	ssyncset.done $0x0  }
0x64: {  	s22 =	sadd.s32 $0x800, s22;
	s6 =	simm.s32 @!p0 $0x8;
	[sflag:s30] =	ssyncadd.s32 $0xFFFFC000  }
0x65: {  	[hbm4b:s22+s5] =	stream.linear.scatter [tilespmem:s25], [sflag:$0x6], $0x4000, $0x38;
	[tilespmem:$0x10800] =	vst v63  }
0x66: {  	s23 =	sadd.s32 $0xFFFFFE00, s16;
	_ =	swait.ge @!p0 [sflag:s6], $0x4000  }
0x67: {  	s22 =	sand.u32 $0x700, s23;
	[sflag:s6] =	ssyncset.done @!p0 $0x0  }
0x68: {  	s23 =	sadd.s32 s24, s22;
	[sflag:s6] =	ssyncadd.s32 @!p0 $0xFFFFC000;
	p0 =	seq.s32 s16, $0x1100  }
0x69: {  	[tilespmem:s7], [sflag:$0x4] =	stream.indirect.gather [hbm4b:s21+s31], $0x80, s23, s31, $0xb8;
	[tilespmem:$0x10800] =	vst v63  }
.Ltmp2:
0x6a: {  	_ = 	snop;
	(pc) =	sbr.rel @p0 .LBB2_4-.Ltmp2, $4  }
0x6b: {  	s24 =	sadd.s32 $0xFFFFF800, s17;
	_ =	swait.ge [sflag:s9], $0x4000  }
0x6c: {  	s6 =	sand.u32 $0x3000, s24;
	[sflag:s9] =	ssyncset.done $0x0  }
0x6d: {  	s6 =	sadd.s32 s6, s20;
	[sflag:s9] =	ssyncadd.s32 $0xFFFFC000  }
0x6e: {  	[hbm4b:s6+s5] =	stream.linear.scatter [tilespmem:s29], [sflag:$0x7], $0x4000, $0x38;
	[tilespmem:$0x10800] =	vst v63  }
0x6f: {  	s6 =	sadd.s32 $0xFFFFFFFF, s18;
	_ =	swait.ge [sflag:s11], $0x4000;
	s23 =	sadd.s32 $0xFFFFFF00, s16  }
0x70: {  	s24 =	sshrl.u32 s18, $0x3;
	s19 =	sadd.s32 $0x1, s19;
	[sflag:s11] =	ssyncset.done $0x0  }
0x71: {  	s21 =	sshrl.u32 s6, $0x3;
	s22 =	sshll.u32 s6, $0x7;
	s23 =	sand.u32 $0x400, s23  }
0x72: {  	s6 =	sshll.u32 s6, $0x4;
	s22 =	sand.u32 $0x800, s22;
	s21 =	sadd.s32 s3, s21  }
0x73: {  	s6 =	sand.u32 $0x80, s6;
	[sflag:s11] =	ssyncadd.s32 $0xFFFFC000;
	s21 =	sshll.u32 s21, $0x10  }
0x74: {  	s22 =	sor.u32 s23, s22;
	s23 =	sand.u32 $0x3800, s17;
	s21 =	sand.u32 $0x1FFF0000, s21  }
0x75: {  	s17 =	sadd.s32 $0x2000, s17;
	s6 =	sor.u32 s6, s22;
	s21 =	sadd.s32 s1, s21  }
0x76: {  	[tilespmem:s0], [sflag:$0x1] =	stream.indirect.gather [hbm4b:s21+s31], $0x80, s6, s31, $0xb8;
	[tilespmem:$0x10800] =	vst v63  }
0x77: {  	s22 =	sand.u32 $0x500, s16;
	s16 =	sadd.s32 $0x400, s16;
	_ =	swait.ge [sflag:s10], $0x4000  }
0x78: {  	s6 =	sadd.s32 s23, s20;
	s21 =	sshll.u32 s18, $0x7;
	[sflag:s10] =	ssyncset.done $0x0  }
0x79: {  	s23 =	sshll.u32 s18, $0x4;
	s18 =	sadd.s32 $0x4, s18;
	[sflag:s10] =	ssyncadd.s32 $0xFFFFC000  }
0x7a: {  	[hbm4b:s6+s5] =	stream.linear.scatter [tilespmem:s7], [sflag:$0x8], $0x4000, $0x38;
	[tilespmem:$0x10800] =	vst v63  }
.Ltmp3:
0x7b: {  	s20 =	sand.u32 $0x800, s21;
	s6 =	sadd.s32 s3, s24;
	(pc) =	sbr.rel .LBB2_2-.Ltmp3, $4  }
0x7c: {  	s20 =	sor.u32 s22, s20;
	_ =	swait.ge [sflag:s12], $0x4000;
	s6 =	sshll.u32 s6, $0x10  }
0x7d: {  	s24 =	sand.u32 $0x80, s23;
	[sflag:s12] =	ssyncset.done $0x0;
	s6 =	sand.u32 $0x1FFF0000, s6  }
0x7e: {  	s20 =	sor.u32 s24, s20;
	[sflag:s12] =	ssyncadd.s32 $0xFFFFC000;
	s6 =	sadd.s32 s1, s6  }
0x7f: {  	[tilespmem:s25], [sflag:$0x2] =	stream.indirect.gather [hbm4b:s6+s31], $0x80, s20, s31, $0xb8;
	[tilespmem:$0x10800] =	vst v63  }
.LBB2_5:
0x80: {  	_ =	sfence.sel $0x180000  }
0x81: {  	[bflag:$0x0] =	sbarrier.arrive $0xFFFF  }
0x82: {  	_ =	strace $0x90000047  }
0x83: {  	s0 =	stileid.u32;
	[bflag:$0x2] =	sbarrier.arrive $0xFFFF  }
0x84: {  	p0 =	sne.s32 s0, $0x0;
	s0 =	rddreg [dreg:$0x3]  }
0x85: {  	s0 =	sadd.s32 @!p0 $0x100000, s0  }
0x86: {  	[sflag:s0] =	ssyncadd.tile.s32 @!p0 $0x1;
	_ =	shalt  }
.Lfunc_end2:
_tile_overlayer_lowered:
.L_overlay_start_2:
0x87: {  	(tag) =	ssettag $0x2  }
0x88: {  	s0 =	rddreg [dreg:$0x0];
	s2 =	stileid.u32  }
0x89: {  	s1 =	rddreg [dreg:$0x1];
	p0 =	sne.s32 s2, $0x0  }
0x8a: {  	s3 =	rddreg [dreg:$0x2];
	[bflag:$0x3] =	sbarrier.arrive $0xFFFF;
	s2 =	simm.s32 @!p0 $0x1C0B  }
0x8b: {  	[timem:s3], [sflag:s2] =	dma.local @!p0 [hbm:s0], s1  }
0x8c: {  	s0 =	simm.s32 @!p0 $0xB  }
0x8d: {  	_ =	swait.ge @!p0 [sflag:s0], s1  }
0x8e: {  	s1 =	ssub.s32 @!p0 $0x0, s1;
	[sflag:s0] =	ssyncset.done @!p0 $0x0  }
0x8f: {  	[sflag:s0] =	ssyncadd.s32 @!p0 s1  }
0x90: {  	[bflag:$0x3] =	sbarrier.arrive $0xFFFF  }
0x91: {  	_ =	shalt  }

</sc_bundles>
